<compile_context>
chip_gen: v7x
topology: tpu7x:2x2x1
jax: 0.10.2.dev20260603
libtpu: 0.0.44.dev20260713+nightly
codegen_flags: <defaults>
</compile_context>

<pallas_src>
import functools

import jax
import jax.numpy as jnp
from jax import lax
from jax.experimental import pallas as pl
from jax.experimental.pallas import tpu as pltpu
from jax.experimental.pallas import tpu_sc as plsc

_NC = 2
_NS = 16
_NW = _NC * _NS
_CHUNK = 80
_NSLAB = 10

_SC_PARAMS = pltpu.CompilerParams(use_tc_tiling_on_sc=False)


def _make_degree(n, e):
  ep = e // _NW
  nch = ep // _CHUNK
  slab = n // _NSLAB
  mesh = plsc.VectorSubcoreMesh(core_axis_name="c", subcore_axis_name="s")

  @functools.partial(
      pl.kernel,
      out_type=jax.ShapeDtypeStruct((_NC, n, 16), jnp.float32),
      mesh=mesh,
      scratch_types=[
          pltpu.VMEM((_CHUNK,), jnp.int32),
          pltpu.VMEM((_CHUNK, 16), jnp.float32),
          pltpu.VMEM_SHARED((n, 16), jnp.float32),
      ],
      compiler_params=_SC_PARAMS,
  )
  def deg_kernel(col_hbm, ones_hbm, zero_hbm, out_hbm, colbuf, onesbuf, acc):
    c = lax.axis_index("c")
    s = lax.axis_index("s")
    wid = s * _NC + c
    pltpu.sync_copy(ones_hbm, onesbuf)

    @pl.when(s < _NSLAB)
    def _():
      pltpu.sync_copy(zero_hbm.at[pl.ds(s * slab, slab)],
                      acc.at[pl.ds(s * slab, slab)])

    plsc.subcore_barrier()
    base = wid * ep

    @pl.loop(0, nch)
    def _(i):
      pltpu.sync_copy(col_hbm.at[pl.ds(base + i * _CHUNK, _CHUNK)], colbuf)
      pltpu.sync_copy(onesbuf, acc.at[colbuf], add=True)

    plsc.subcore_barrier()

    @pl.when(s < _NSLAB)
    def _():
      pltpu.sync_copy(acc.at[pl.ds(s * slab, slab)],
                      out_hbm.at[c, pl.ds(s * slab, slab)])

  return deg_kernel


def _make_scatter(n, e, d):
  ep = e // _NW
  nch = ep // _CHUNK
  slab = n // _NSLAB
  mesh = plsc.VectorSubcoreMesh(core_axis_name="c", subcore_axis_name="s")

  @functools.partial(
      pl.kernel,
      out_type=jax.ShapeDtypeStruct((_NC, n, d), jnp.float32),
      mesh=mesh,
      scratch_types=[
          pltpu.VMEM((_CHUNK,), jnp.int32),
          pltpu.VMEM((_CHUNK,), jnp.int32),
          pltpu.VMEM((_CHUNK, d), jnp.float32),
          pltpu.VMEM_SHARED((n, d), jnp.float32),
          pltpu.SemaphoreType.DMA,
      ],
      compiler_params=_SC_PARAMS,
  )
  def scat_kernel(vals_hbm, row_hbm, col_hbm, zero_hbm, out_hbm,
                  rowbuf, colbuf, valbuf, acc, sem):
    c = lax.axis_index("c")
    s = lax.axis_index("s")
    wid = s * _NC + c

    @pl.when(s < _NSLAB)
    def _():
      pltpu.sync_copy(zero_hbm.at[pl.ds(s * slab, slab)],
                      acc.at[pl.ds(s * slab, slab)])

    plsc.subcore_barrier()
    base = wid * ep

    @pl.loop(0, nch)
    def _(i):
      off = base + i * _CHUNK
      pltpu.sync_copy(row_hbm.at[pl.ds(off, _CHUNK)], rowbuf)
      pltpu.sync_copy(col_hbm.at[pl.ds(off, _CHUNK)], colbuf)
      pltpu.async_copy(vals_hbm.at[rowbuf], valbuf, sem).wait()
      pltpu.sync_copy(valbuf, acc.at[colbuf], add=True)

    plsc.subcore_barrier()

    @pl.when(s < _NSLAB)
    def _():
      pltpu.sync_copy(acc.at[pl.ds(s * slab, slab)],
                      out_hbm.at[c, pl.ds(s * slab, slab)])

  return scat_kernel


_BR = 1000


def _dinv_of(d_ref):
  deg = d_ref[0, :, 0] + d_ref[1, :, 0] + 1.0
  return lax.rsqrt(deg)[:, None]


def _tc1(x, w1, degp):
  n, in_dim = x.shape
  h = w1.shape[1]

  def body(x_ref, w_ref, d_ref, o_ref):
    hm = jnp.dot(x_ref[...], w_ref[...], preferred_element_type=jnp.float32)
    o_ref[...] = hm * _dinv_of(d_ref)

  return pl.pallas_call(
      body,
      grid=(n // _BR,),
      in_specs=[
          pl.BlockSpec((_BR, in_dim), lambda i: (i, 0)),
          pl.BlockSpec((in_dim, h), lambda i: (0, 0)),
          pl.BlockSpec((2, _BR, 16), lambda i: (0, i, 0)),
      ],
      out_specs=pl.BlockSpec((_BR, h), lambda i: (i, 0)),
      out_shape=jax.ShapeDtypeStruct((n, h), jnp.float32),
  )(x, w1, degp)


def _tc2(p, hs1, degp, w2, b1):
  n, h = hs1.shape
  h1 = w2.shape[1]

  def body(p_ref, hs_ref, d_ref, w_ref, b_ref, o_ref):
    dinv = _dinv_of(d_ref)
    t = (p_ref[0] + p_ref[1] + hs_ref[...]) * dinv + b_ref[0]
    r = jnp.maximum(t, 0.0)
    g = jnp.dot(r, w_ref[...], preferred_element_type=jnp.float32)
    o_ref[...] = g * dinv

  return pl.pallas_call(
      body,
      grid=(n // _BR,),
      in_specs=[
          pl.BlockSpec((2, _BR, h), lambda i: (0, i, 0)),
          pl.BlockSpec((_BR, h), lambda i: (i, 0)),
          pl.BlockSpec((2, _BR, 16), lambda i: (0, i, 0)),
          pl.BlockSpec((h, h1), lambda i: (0, 0)),
          pl.BlockSpec((1, h), lambda i: (0, 0)),
      ],
      out_specs=pl.BlockSpec((_BR, h1), lambda i: (i, 0)),
      out_shape=jax.ShapeDtypeStruct((n, h1), jnp.float32),
  )(p, hs1, degp, w2, b1)


def _tc3(q, gs2, degp, w3, b2, b3):
  n, h1 = gs2.shape
  out_d = w3.shape[1]

  def body(q_ref, g_ref, d_ref, w_ref, b2_ref, b3_ref, o_ref):
    dinv = _dinv_of(d_ref)
    t = (q_ref[0] + q_ref[1] + g_ref[...]) * dinv + b2_ref[0]
    o = jnp.dot(t, w_ref[...], preferred_element_type=jnp.float32) + b3_ref[0]
    m = jnp.max(o, axis=1, keepdims=True)
    sh = o - m
    lse = jnp.log(jnp.sum(jnp.exp(sh), axis=1, keepdims=True))
    o_ref[...] = sh - lse

  return pl.pallas_call(
      body,
      grid=(n // _BR,),
      in_specs=[
          pl.BlockSpec((2, _BR, h1), lambda i: (0, i, 0)),
          pl.BlockSpec((_BR, h1), lambda i: (i, 0)),
          pl.BlockSpec((2, _BR, 16), lambda i: (0, i, 0)),
          pl.BlockSpec((h1, out_d), lambda i: (0, 0)),
          pl.BlockSpec((1, h1), lambda i: (0, 0)),
          pl.BlockSpec((1, out_d), lambda i: (0, 0)),
      ],
      out_specs=pl.BlockSpec((_BR, out_d), lambda i: (i, 0)),
      out_shape=jax.ShapeDtypeStruct((n, out_d), jnp.float32),
  )(q, gs2, degp, w3, b2, b3)


@jax.jit
def _impl(x, edge_index, w1, b1, w2, b2, w3, b3):
  n = x.shape[0]
  e = edge_index.shape[1]
  h = w1.shape[1]
  h1 = w2.shape[1]
  row = edge_index[0]
  col = edge_index[1]

  ones16 = jnp.ones((_CHUNK, 16), jnp.float32)
  z16 = jnp.zeros((n, 16), jnp.float32)
  zh = jnp.zeros((n, h), jnp.float32)
  zh1 = jnp.zeros((n, h1), jnp.float32)

  degp = _make_degree(n, e)(col, ones16, z16)
  hs1 = _tc1(x, w1, degp)
  p = _make_scatter(n, e, h)(hs1, row, col, zh)
  gs2 = _tc2(p, hs1, degp, w2, b1.reshape(1, h))
  q = _make_scatter(n, e, h1)(gs2, row, col, zh1)
  return _tc3(q, gs2, degp, w3, b2.reshape(1, h1), b3.reshape(1, -1))


def kernel(x, edge_index, W1, b1, W2, b2, W3, b3):
  return _impl(x, edge_index, W1, b1, W2, b2, W3, b3)

# --- scband reference (transcript-rebuilt; emitter-appended) ---
"""Pipeline reference for scband-co-g-5085241278658 (READ-ONLY COPY).

The authoritative reference and input builder live on the scoring server;
editing this copy changes nothing except your own understanding.
"""

import jax, jax.numpy as jnp
import numpy as np

N = 10000
E = 320000
IN_DIM = 128
HID = 128
HID1 = 64
OUT = 40


def setup_inputs(seed: int = 0) -> dict:
    key = jax.random.key(seed)
    ks = jax.random.split(key, 8)
    x = jax.random.normal(ks[0], (N, IN_DIM), dtype=jnp.float32)
    edge_index = jax.random.randint(ks[1], (2, E), 0, N, dtype=jnp.int32)
    W1 = jax.random.normal(ks[2], (IN_DIM, HID), dtype=jnp.float32) * (1.0 / np.sqrt(IN_DIM))
    b1 = jnp.zeros((HID,), dtype=jnp.float32)
    W2 = jax.random.normal(ks[3], (HID, HID1), dtype=jnp.float32) * (1.0 / np.sqrt(HID))
    b2 = jnp.zeros((HID1,), dtype=jnp.float32)
    W3 = jax.random.normal(ks[4], (HID1, OUT), dtype=jnp.float32) * (1.0 / np.sqrt(HID1))
    b3 = jnp.zeros((OUT,), dtype=jnp.float32)
    return {"x": x, "edge_index": edge_index, "W1": W1, "b1": b1, "W2": W2, "b2": b2, "W3": W3, "b3": b3}


def _gcn_layer(x, edge_index, W, b):
    # Faithful GCNConv: x' = D^{-1/2} (A + I) D^{-1/2} X W + b
    n = x.shape[0]
    h = x @ W
    loop = jnp.arange(n, dtype=edge_index.dtype)
    row = jnp.concatenate([edge_index[0], loop])  # source nodes
    col = jnp.concatenate([edge_index[1], loop])  # target nodes
    ones = jnp.ones(row.shape[0], dtype=h.dtype)
    deg = jnp.zeros((n,), dtype=h.dtype).at[col].add(ones)
    dinv = jnp.where(deg > 0, 1.0 / jnp.sqrt(jnp.where(deg > 0, deg, 1.0)), 0.0)
    norm = dinv[row] * dinv[col]
    msg = norm[:, None] * h[row]                  # gather from source
    out = jnp.zeros_like(h).at[col].add(msg)      # scatter-add to target
    return out + b


def reference(x, edge_index, W1, b1, W2, b2, W3, b3):
    h = _gcn_layer(x, edge_index, W1, b1)
    h = jax.nn.relu(h)
    # F.dropout(training=self.training) is identity in eval mode
    h = _gcn_layer(h, edge_index, W2, b2)
    out = h @ W3 + b3
    return jax.nn.log_softmax(out, axis=1)

if __name__ == "__main__":
    import jax
    _d = setup_inputs()
    print(jax.jit(kernel)(*tuple(_d.values())))

</pallas_src>

<mosaic_0001>
#map = affine_map<(d0, d1) -> (0)>
#map1 = affine_map<(d0, d1) -> (0, 0)>
#map2 = affine_map<(d0, d1) -> (0, 0, 0)>
module attributes {stable_mosaic.version = 14 : i64} {
  func.func @deg_kernel(%arg0: i32, %arg1: i32, %arg2: memref<320000xi32, #tpu.memory_space<hbm>>, %arg3: memref<80x16xf32, #tpu.memory_space<hbm>>, %arg4: memref<10000x16xf32, #tpu.memory_space<hbm>>, %arg5: memref<2x10000x16xf32, #tpu.memory_space<hbm>>, %arg6: memref<80xi32, #tpu.memory_space<vmem>>, %arg7: memref<80x16xf32, #tpu.memory_space<vmem>>, %arg8: memref<10000x16xf32, #tpu.memory_space<vmem_shared>>) attributes {dimension_semantics = [#tpu.dimension_semantics<core_parallel>, #tpu.dimension_semantics<subcore_parallel>], iteration_bounds = array<i64: 2, 16>, scalar_prefetch = 0 : i64, scratch_operands = 3 : i64, tpu.core_type = #tpu.core_type<sc_vector_subcore>, window_params = [{transform_indices = #map}, {transform_indices = #map1}, {transform_indices = #map1}, {transform_indices = #map2}]} {
    %mul3A = arith.constant 2 : i32
    %mul3A_0 = arith.muli %arg1, %mul3A : i32
    %add3A = arith.addi %mul3A_0, %arg0 : i32
    "tpu.region"() ({
      %run_scoped3A = tpu.sem_alloc : memref<!tpu.dma_semaphore, #tpu.memory_space<semaphore_mem>>
      tpu.enqueue_dma source(%arg3 : memref<80x16xf32, #tpu.memory_space<hbm>>) target(%arg7 : memref<80x16xf32, #tpu.memory_space<vmem>>) target_semaphore(%run_scoped3A : memref<!tpu.dma_semaphore, #tpu.memory_space<semaphore_mem>>)
      tpu.wait_dma2 semaphore(%run_scoped3A : memref<!tpu.dma_semaphore, #tpu.memory_space<semaphore_mem>>) src(%arg3 : memref<80x16xf32, #tpu.memory_space<hbm>>) dst(%arg7 : memref<80x16xf32, #tpu.memory_space<vmem>>)
      tpu.yield
    }) : () -> ()
    %lt3A = arith.constant 10 : i32
    %lt3A_1 = arith.cmpi slt, %arg1, %lt3A : i32
    %convert_element_type3A = arith.extui %lt3A_1 : i1 to i32
    %cond3A = arith.constant 0 : i32
    %cond3A_2 = arith.cmpi ne, %convert_element_type3A, %cond3A : i32
    scf.if %cond3A_2 {
      %mul3A_15 = arith.constant 1000 : i32
      %mul3A_16 = arith.muli %arg1, %mul3A_15 : i32
      %mul3A_17 = arith.constant 1000 : i32
      %mul3A_18 = arith.muli %arg1, %mul3A_17 : i32
      "tpu.region"() ({
        %run_scoped3A = tpu.sem_alloc : memref<!tpu.dma_semaphore, #tpu.memory_space<semaphore_mem>>
        %dma_start3A = arith.constant 0 : i32
        %dma_start3A_19 = tpu.memref_slice %arg8[%mul3A_18, %dma_start3A] : memref<10000x16xf32, #tpu.memory_space<vmem_shared>> -> memref<1000x16xf32, #tpu.memory_space<vmem_shared>>
        %dma_start3A_20 = arith.constant 0 : i32
        %dma_start3A_21 = tpu.memref_slice %arg4[%mul3A_16, %dma_start3A_20] : memref<10000x16xf32, #tpu.memory_space<hbm>> -> memref<1000x16xf32, #tpu.memory_space<hbm>>
        tpu.enqueue_dma source(%dma_start3A_21 : memref<1000x16xf32, #tpu.memory_space<hbm>>) target(%dma_start3A_19 : memref<1000x16xf32, #tpu.memory_space<vmem_shared>>) target_semaphore(%run_scoped3A : memref<!tpu.dma_semaphore, #tpu.memory_space<semaphore_mem>>)
        %dma_wait3A = arith.constant 0 : i32
        %dma_wait3A_22 = tpu.memref_slice %arg8[%mul3A_18, %dma_wait3A] : memref<10000x16xf32, #tpu.memory_space<vmem_shared>> -> memref<1000x16xf32, #tpu.memory_space<vmem_shared>>
        %dma_wait3A_23 = arith.constant 0 : i32
        %dma_wait3A_24 = tpu.memref_slice %arg4[%mul3A_16, %dma_wait3A_23] : memref<10000x16xf32, #tpu.memory_space<hbm>> -> memref<1000x16xf32, #tpu.memory_space<hbm>>
        tpu.wait_dma2 semaphore(%run_scoped3A : memref<!tpu.dma_semaphore, #tpu.memory_space<semaphore_mem>>) src(%dma_wait3A_24 : memref<1000x16xf32, #tpu.memory_space<hbm>>) dst(%dma_wait3A_22 : memref<1000x16xf32, #tpu.memory_space<vmem_shared>>)
        tpu.yield
      }) : () -> ()
    } else {
    }
    %barrier3A = arith.constant 0 : index
    tpu.barrier barrier_id(%barrier3A)
    %mul3A_3 = arith.constant 10000 : i32
    %mul3A_4 = arith.muli %add3A, %mul3A_3 : i32
    %scan3A = arith.constant 0 : i32
    %scan3A_5 = arith.constant 125 : i32
    %scan3A_6 = arith.addi %scan3A, %scan3A_5 : i32
    %scan3A_7 = arith.constant 1 : i32
    scf.for %scan3A_15 = %scan3A to %scan3A_6 step %scan3A_7  : i32 {
      %mul3A_16 = arith.constant 1 : i32
      %mul3A_17 = arith.muli %scan3A_15, %mul3A_16 : i32
      %add3A_18 = arith.constant 0 : i32
      %add3A_19 = arith.addi %add3A_18, %mul3A_17 : i32
      %mul3A_20 = arith.constant 80 : i32
      %mul3A_21 = arith.muli %add3A_19, %mul3A_20 : i32
      %add3A_22 = arith.addi %mul3A_4, %mul3A_21 : i32
      "tpu.region"() ({
        %run_scoped3A = tpu.sem_alloc : memref<!tpu.dma_semaphore, #tpu.memory_space<semaphore_mem>>
        %dma_start3A = tpu.memref_slice %arg2[%add3A_22] : memref<320000xi32, #tpu.memory_space<hbm>> -> memref<80xi32, #tpu.memory_space<hbm>>
        %dma_start3A_23 = tpu.memref_slice %arg2[%add3A_22] : memref<320000xi32, #tpu.memory_space<hbm>> -> memref<80xi32, #tpu.memory_space<hbm>>
        tpu.enqueue_dma source(%dma_start3A_23 : memref<80xi32, #tpu.memory_space<hbm>>) target(%arg6 : memref<80xi32, #tpu.memory_space<vmem>>) target_semaphore(%run_scoped3A : memref<!tpu.dma_semaphore, #tpu.memory_space<semaphore_mem>>)
        %dma_wait3A = tpu.memref_slice %arg2[%add3A_22] : memref<320000xi32, #tpu.memory_space<hbm>> -> memref<80xi32, #tpu.memory_space<hbm>>
        %dma_wait3A_24 = tpu.memref_slice %arg2[%add3A_22] : memref<320000xi32, #tpu.memory_space<hbm>> -> memref<80xi32, #tpu.memory_space<hbm>>
        tpu.wait_dma2 semaphore(%run_scoped3A : memref<!tpu.dma_semaphore, #tpu.memory_space<semaphore_mem>>) src(%dma_wait3A_24 : memref<80xi32, #tpu.memory_space<hbm>>) dst(%arg6 : memref<80xi32, #tpu.memory_space<vmem>>)
        tpu.yield
      }) : () -> ()
      "tpu.region"() ({
        %run_scoped3A = tpu.sem_alloc : memref<!tpu.dma_semaphore, #tpu.memory_space<semaphore_mem>>
        %dma_start3A = arith.constant 0 : i32
        %dma_start3A_23 = arith.constant 0 : i32
        %dma_start3A_24 = tpu.memref_slice %arg8[%dma_start3A, %dma_start3A_23] : memref<10000x16xf32, #tpu.memory_space<vmem_shared>> -> memref<10000x16xf32, #tpu.memory_space<vmem_shared>>
        tpu.enqueue_indirect_dma source(%arg7 : memref<80x16xf32, #tpu.memory_space<vmem>>) target(%dma_start3A_24 : memref<10000x16xf32, #tpu.memory_space<vmem_shared>>) offsets(%arg6 : memref<80xi32, #tpu.memory_space<vmem>>) semaphore(%run_scoped3A : memref<!tpu.dma_semaphore, #tpu.memory_space<semaphore_mem>>) {add = true}
        %dma_wait3A = arith.constant 0 : i32
        %dma_wait3A_25 = arith.constant 0 : i32
        %dma_wait3A_26 = tpu.memref_slice %arg8[%dma_wait3A, %dma_wait3A_25] : memref<10000x16xf32, #tpu.memory_space<vmem_shared>> -> memref<10000x16xf32, #tpu.memory_space<vmem_shared>>
        tpu.wait_indirect_dma semaphore(%run_scoped3A : memref<!tpu.dma_semaphore, #tpu.memory_space<semaphore_mem>>) src(%arg7 : memref<80x16xf32, #tpu.memory_space<vmem>>) dst(%dma_wait3A_26 : memref<10000x16xf32, #tpu.memory_space<vmem_shared>>)
        tpu.yield
      }) : () -> ()
    }
    %scan3A_8 = arith.constant 125 : i32
    %barrier3A_9 = arith.constant 0 : index
    tpu.barrier barrier_id(%barrier3A_9)
    %lt3A_10 = arith.constant 10 : i32
    %lt3A_11 = arith.cmpi slt, %arg1, %lt3A_10 : i32
    %convert_element_type3A_12 = arith.extui %lt3A_11 : i1 to i32
    %cond3A_13 = arith.constant 0 : i32
    %cond3A_14 = arith.cmpi ne, %convert_element_type3A_12, %cond3A_13 : i32
    scf.if %cond3A_14 {
      %mul3A_15 = arith.constant 1000 : i32
      %mul3A_16 = arith.muli %arg1, %mul3A_15 : i32
      %mul3A_17 = arith.constant 1000 : i32
      %mul3A_18 = arith.muli %arg1, %mul3A_17 : i32
      "tpu.region"() ({
        %run_scoped3A = tpu.sem_alloc : memref<!tpu.dma_semaphore, #tpu.memory_space<semaphore_mem>>
        %dma_start3A = arith.constant 0 : i32
        %dma_start3A_19 = tpu.memref_slice %arg5[%arg0, %mul3A_18, %dma_start3A] : memref<2x10000x16xf32, #tpu.memory_space<hbm>> -> memref<1x1000x16xf32, #tpu.memory_space<hbm>>
        %dma_start3A_20 = tpu.memref_squeeze %dma_start3A_19 : memref<1x1000x16xf32, #tpu.memory_space<hbm>> -> memref<1000x16xf32, #tpu.memory_space<hbm>>
        %dma_start3A_21 = arith.constant 0 : i32
        %dma_start3A_22 = tpu.memref_slice %arg8[%mul3A_16, %dma_start3A_21] : memref<10000x16xf32, #tpu.memory_space<vmem_shared>> -> memref<1000x16xf32, #tpu.memory_space<vmem_shared>>
        tpu.enqueue_dma source(%dma_start3A_22 : memref<1000x16xf32, #tpu.memory_space<vmem_shared>>) target(%dma_start3A_20 : memref<1000x16xf32, #tpu.memory_space<hbm>>) target_semaphore(%run_scoped3A : memref<!tpu.dma_semaphore, #tpu.memory_space<semaphore_mem>>)
        %dma_wait3A = arith.constant 0 : i32
        %dma_wait3A_23 = tpu.memref_slice %arg5[%arg0, %mul3A_18, %dma_wait3A] : memref<2x10000x16xf32, #tpu.memory_space<hbm>> -> memref<1x1000x16xf32, #tpu.memory_space<hbm>>
        %dma_wait3A_24 = tpu.memref_squeeze %dma_wait3A_23 : memref<1x1000x16xf32, #tpu.memory_space<hbm>> -> memref<1000x16xf32, #tpu.memory_space<hbm>>
        %dma_wait3A_25 = arith.constant 0 : i32
        %dma_wait3A_26 = tpu.memref_slice %arg8[%mul3A_16, %dma_wait3A_25] : memref<10000x16xf32, #tpu.memory_space<vmem_shared>> -> memref<1000x16xf32, #tpu.memory_space<vmem_shared>>
        tpu.wait_dma2 semaphore(%run_scoped3A : memref<!tpu.dma_semaphore, #tpu.memory_space<semaphore_mem>>) src(%dma_wait3A_26 : memref<1000x16xf32, #tpu.memory_space<vmem_shared>>) dst(%dma_wait3A_24 : memref<1000x16xf32, #tpu.memory_space<hbm>>)
        tpu.yield
      }) : () -> ()
    } else {
    }
    return
  }
}

#map = affine_map<(d0, d1) -> (0, 0)>
#map1 = affine_map<(d0, d1) -> (0)>
#map2 = affine_map<(d0, d1) -> (0, 0, 0)>
module attributes {stable_mosaic.version = 14 : i64} {
  func.func @scat_kernel(%arg0: i32, %arg1: i32, %arg2: memref<10000x128xf32, #tpu.memory_space<hbm>>, %arg3: memref<320000xi32, #tpu.memory_space<hbm>>, %arg4: memref<320000xi32, #tpu.memory_space<hbm>>, %arg5: memref<10000x128xf32, #tpu.memory_space<hbm>>, %arg6: memref<2x10000x128xf32, #tpu.memory_space<hbm>>, %arg7: memref<80xi32, #tpu.memory_space<vmem>>, %arg8: memref<80xi32, #tpu.memory_space<vmem>>, %arg9: memref<80x128xf32, #tpu.memory_space<vmem>>, %arg10: memref<10000x128xf32, #tpu.memory_space<vmem_shared>>, %arg11: memref<!tpu.dma_semaphore, #tpu.memory_space<semaphore_mem>>) attributes {dimension_semantics = [#tpu.dimension_semantics<core_parallel>, #tpu.dimension_semantics<subcore_parallel>], iteration_bounds = array<i64: 2, 16>, scalar_prefetch = 0 : i64, scratch_operands = 5 : i64, tpu.core_type = #tpu.core_type<sc_vector_subcore>, window_params = [{transform_indices = #map}, {transform_indices = #map1}, {transform_indices = #map1}, {transform_indices = #map}, {transform_indices = #map2}]} {
    %mul3A = arith.constant 2 : i32
    %mul3A_0 = arith.muli %arg1, %mul3A : i32
    %add3A = arith.addi %mul3A_0, %arg0 : i32
    %lt3A = arith.constant 10 : i32
    %lt3A_1 = arith.cmpi slt, %arg1, %lt3A : i32
    %convert_element_type3A = arith.extui %lt3A_1 : i1 to i32
    %cond3A = arith.constant 0 : i32
    %cond3A_2 = arith.cmpi ne, %convert_element_type3A, %cond3A : i32
    scf.if %cond3A_2 {
      %mul3A_15 = arith.constant 1000 : i32
      %mul3A_16 = arith.muli %arg1, %mul3A_15 : i32
      %mul3A_17 = arith.constant 1000 : i32
      %mul3A_18 = arith.muli %arg1, %mul3A_17 : i32
      "tpu.region"() ({
        %run_scoped3A = tpu.sem_alloc : memref<!tpu.dma_semaphore, #tpu.memory_space<semaphore_mem>>
        %dma_start3A = arith.constant 0 : i32
        %dma_start3A_19 = tpu.memref_slice %arg10[%mul3A_18, %dma_start3A] : memref<10000x128xf32, #tpu.memory_space<vmem_shared>> -> memref<1000x128xf32, #tpu.memory_space<vmem_shared>>
        %dma_start3A_20 = arith.constant 0 : i32
        %dma_start3A_21 = tpu.memref_slice %arg5[%mul3A_16, %dma_start3A_20] : memref<10000x128xf32, #tpu.memory_space<hbm>> -> memref<1000x128xf32, #tpu.memory_space<hbm>>
        tpu.enqueue_dma source(%dma_start3A_21 : memref<1000x128xf32, #tpu.memory_space<hbm>>) target(%dma_start3A_19 : memref<1000x128xf32, #tpu.memory_space<vmem_shared>>) target_semaphore(%run_scoped3A : memref<!tpu.dma_semaphore, #tpu.memory_space<semaphore_mem>>)
        %dma_wait3A = arith.constant 0 : i32
        %dma_wait3A_22 = tpu.memref_slice %arg10[%mul3A_18, %dma_wait3A] : memref<10000x128xf32, #tpu.memory_space<vmem_shared>> -> memref<1000x128xf32, #tpu.memory_space<vmem_shared>>
        %dma_wait3A_23 = arith.constant 0 : i32
        %dma_wait3A_24 = tpu.memref_slice %arg5[%mul3A_16, %dma_wait3A_23] : memref<10000x128xf32, #tpu.memory_space<hbm>> -> memref<1000x128xf32, #tpu.memory_space<hbm>>
        tpu.wait_dma2 semaphore(%run_scoped3A : memref<!tpu.dma_semaphore, #tpu.memory_space<semaphore_mem>>) src(%dma_wait3A_24 : memref<1000x128xf32, #tpu.memory_space<hbm>>) dst(%dma_wait3A_22 : memref<1000x128xf32, #tpu.memory_space<vmem_shared>>)
        tpu.yield
      }) : () -> ()
    } else {
    }
    %barrier3A = arith.constant 0 : index
    tpu.barrier barrier_id(%barrier3A)
    %mul3A_3 = arith.constant 10000 : i32
    %mul3A_4 = arith.muli %add3A, %mul3A_3 : i32
    %scan3A = arith.constant 0 : i32
    %scan3A_5 = arith.constant 125 : i32
    %scan3A_6 = arith.addi %scan3A, %scan3A_5 : i32
    %scan3A_7 = arith.constant 1 : i32
    scf.for %scan3A_15 = %scan3A to %scan3A_6 step %scan3A_7  : i32 {
      %mul3A_16 = arith.constant 1 : i32
      %mul3A_17 = arith.muli %scan3A_15, %mul3A_16 : i32
      %add3A_18 = arith.constant 0 : i32
      %add3A_19 = arith.addi %add3A_18, %mul3A_17 : i32
      %mul3A_20 = arith.constant 80 : i32
      %mul3A_21 = arith.muli %add3A_19, %mul3A_20 : i32
      %add3A_22 = arith.addi %mul3A_4, %mul3A_21 : i32
      "tpu.region"() ({
        %run_scoped3A = tpu.sem_alloc : memref<!tpu.dma_semaphore, #tpu.memory_space<semaphore_mem>>
        %dma_start3A_27 = tpu.memref_slice %arg3[%add3A_22] : memref<320000xi32, #tpu.memory_space<hbm>> -> memref<80xi32, #tpu.memory_space<hbm>>
        %dma_start3A_28 = tpu.memref_slice %arg3[%add3A_22] : memref<320000xi32, #tpu.memory_space<hbm>> -> memref<80xi32, #tpu.memory_space<hbm>>
        tpu.enqueue_dma source(%dma_start3A_28 : memref<80xi32, #tpu.memory_space<hbm>>) target(%arg7 : memref<80xi32, #tpu.memory_space<vmem>>) target_semaphore(%run_scoped3A : memref<!tpu.dma_semaphore, #tpu.memory_space<semaphore_mem>>)
        %dma_wait3A_29 = tpu.memref_slice %arg3[%add3A_22] : memref<320000xi32, #tpu.memory_space<hbm>> -> memref<80xi32, #tpu.memory_space<hbm>>
        %dma_wait3A_30 = tpu.memref_slice %arg3[%add3A_22] : memref<320000xi32, #tpu.memory_space<hbm>> -> memref<80xi32, #tpu.memory_space<hbm>>
        tpu.wait_dma2 semaphore(%run_scoped3A : memref<!tpu.dma_semaphore, #tpu.memory_space<semaphore_mem>>) src(%dma_wait3A_30 : memref<80xi32, #tpu.memory_space<hbm>>) dst(%arg7 : memref<80xi32, #tpu.memory_space<vmem>>)
        tpu.yield
      }) : () -> ()
      "tpu.region"() ({
        %run_scoped3A = tpu.sem_alloc : memref<!tpu.dma_semaphore, #tpu.memory_space<semaphore_mem>>
        %dma_start3A_27 = tpu.memref_slice %arg4[%add3A_22] : memref<320000xi32, #tpu.memory_space<hbm>> -> memref<80xi32, #tpu.memory_space<hbm>>
        %dma_start3A_28 = tpu.memref_slice %arg4[%add3A_22] : memref<320000xi32, #tpu.memory_space<hbm>> -> memref<80xi32, #tpu.memory_space<hbm>>
        tpu.enqueue_dma source(%dma_start3A_28 : memref<80xi32, #tpu.memory_space<hbm>>) target(%arg8 : memref<80xi32, #tpu.memory_space<vmem>>) target_semaphore(%run_scoped3A : memref<!tpu.dma_semaphore, #tpu.memory_space<semaphore_mem>>)
        %dma_wait3A_29 = tpu.memref_slice %arg4[%add3A_22] : memref<320000xi32, #tpu.memory_space<hbm>> -> memref<80xi32, #tpu.memory_space<hbm>>
        %dma_wait3A_30 = tpu.memref_slice %arg4[%add3A_22] : memref<320000xi32, #tpu.memory_space<hbm>> -> memref<80xi32, #tpu.memory_space<hbm>>
        tpu.wait_dma2 semaphore(%run_scoped3A : memref<!tpu.dma_semaphore, #tpu.memory_space<semaphore_mem>>) src(%dma_wait3A_30 : memref<80xi32, #tpu.memory_space<hbm>>) dst(%arg8 : memref<80xi32, #tpu.memory_space<vmem>>)
        tpu.yield
      }) : () -> ()
      %dma_start3A = arith.constant 0 : i32
      %dma_start3A_23 = arith.constant 0 : i32
      %dma_start3A_24 = tpu.memref_slice %arg2[%dma_start3A, %dma_start3A_23] : memref<10000x128xf32, #tpu.memory_space<hbm>> -> memref<10000x128xf32, #tpu.memory_space<hbm>>
      tpu.enqueue_indirect_dma source(%dma_start3A_24 : memref<10000x128xf32, #tpu.memory_space<hbm>>) target(%arg9 : memref<80x128xf32, #tpu.memory_space<vmem>>) offsets(%arg7 : memref<80xi32, #tpu.memory_space<vmem>>) semaphore(%arg11 : memref<!tpu.dma_semaphore, #tpu.memory_space<semaphore_mem>>)
      %dma_wait3A = arith.constant 0 : i32
      %dma_wait3A_25 = arith.constant 0 : i32
      %dma_wait3A_26 = tpu.memref_slice %arg2[%dma_wait3A, %dma_wait3A_25] : memref<10000x128xf32, #tpu.memory_space<hbm>> -> memref<10000x128xf32, #tpu.memory_space<hbm>>
      tpu.wait_indirect_dma semaphore(%arg11 : memref<!tpu.dma_semaphore, #tpu.memory_space<semaphore_mem>>) src(%dma_wait3A_26 : memref<10000x128xf32, #tpu.memory_space<hbm>>) dst(%arg9 : memref<80x128xf32, #tpu.memory_space<vmem>>)
      "tpu.region"() ({
        %run_scoped3A = tpu.sem_alloc : memref<!tpu.dma_semaphore, #tpu.memory_space<semaphore_mem>>
        %dma_start3A_27 = arith.constant 0 : i32
        %dma_start3A_28 = arith.constant 0 : i32
        %dma_start3A_29 = tpu.memref_slice %arg10[%dma_start3A_27, %dma_start3A_28] : memref<10000x128xf32, #tpu.memory_space<vmem_shared>> -> memref<10000x128xf32, #tpu.memory_space<vmem_shared>>
        tpu.enqueue_indirect_dma source(%arg9 : memref<80x128xf32, #tpu.memory_space<vmem>>) target(%dma_start3A_29 : memref<10000x128xf32, #tpu.memory_space<vmem_shared>>) offsets(%arg8 : memref<80xi32, #tpu.memory_space<vmem>>) semaphore(%run_scoped3A : memref<!tpu.dma_semaphore, #tpu.memory_space<semaphore_mem>>) {add = true}
        %dma_wait3A_30 = arith.constant 0 : i32
        %dma_wait3A_31 = arith.constant 0 : i32
        %dma_wait3A_32 = tpu.memref_slice %arg10[%dma_wait3A_30, %dma_wait3A_31] : memref<10000x128xf32, #tpu.memory_space<vmem_shared>> -> memref<10000x128xf32, #tpu.memory_space<vmem_shared>>
        tpu.wait_indirect_dma semaphore(%run_scoped3A : memref<!tpu.dma_semaphore, #tpu.memory_space<semaphore_mem>>) src(%arg9 : memref<80x128xf32, #tpu.memory_space<vmem>>) dst(%dma_wait3A_32 : memref<10000x128xf32, #tpu.memory_space<vmem_shared>>)
        tpu.yield
      }) : () -> ()
    }
    %scan3A_8 = arith.constant 125 : i32
    %barrier3A_9 = arith.constant 0 : index
    tpu.barrier barrier_id(%barrier3A_9)
    %lt3A_10 = arith.constant 10 : i32
    %lt3A_11 = arith.cmpi slt, %arg1, %lt3A_10 : i32
    %convert_element_type3A_12 = arith.extui %lt3A_11 : i1 to i32
    %cond3A_13 = arith.constant 0 : i32
    %cond3A_14 = arith.cmpi ne, %convert_element_type3A_12, %cond3A_13 : i32
    scf.if %cond3A_14 {
      %mul3A_15 = arith.constant 1000 : i32
      %mul3A_16 = arith.muli %arg1, %mul3A_15 : i32
      %mul3A_17 = arith.constant 1000 : i32
      %mul3A_18 = arith.muli %arg1, %mul3A_17 : i32
      "tpu.region"() ({
        %run_scoped3A = tpu.sem_alloc : memref<!tpu.dma_semaphore, #tpu.memory_space<semaphore_mem>>
        %dma_start3A = arith.constant 0 : i32
        %dma_start3A_19 = tpu.memref_slice %arg6[%arg0, %mul3A_18, %dma_start3A] : memref<2x10000x128xf32, #tpu.memory_space<hbm>> -> memref<1x1000x128xf32, #tpu.memory_space<hbm>>
        %dma_start3A_20 = tpu.memref_squeeze %dma_start3A_19 : memref<1x1000x128xf32, #tpu.memory_space<hbm>> -> memref<1000x128xf32, #tpu.memory_space<hbm>>
        %dma_start3A_21 = arith.constant 0 : i32
        %dma_start3A_22 = tpu.memref_slice %arg10[%mul3A_16, %dma_start3A_21] : memref<10000x128xf32, #tpu.memory_space<vmem_shared>> -> memref<1000x128xf32, #tpu.memory_space<vmem_shared>>
        tpu.enqueue_dma source(%dma_start3A_22 : memref<1000x128xf32, #tpu.memory_space<vmem_shared>>) target(%dma_start3A_20 : memref<1000x128xf32, #tpu.memory_space<hbm>>) target_semaphore(%run_scoped3A : memref<!tpu.dma_semaphore, #tpu.memory_space<semaphore_mem>>)
        %dma_wait3A = arith.constant 0 : i32
        %dma_wait3A_23 = tpu.memref_slice %arg6[%arg0, %mul3A_18, %dma_wait3A] : memref<2x10000x128xf32, #tpu.memory_space<hbm>> -> memref<1x1000x128xf32, #tpu.memory_space<hbm>>
        %dma_wait3A_24 = tpu.memref_squeeze %dma_wait3A_23 : memref<1x1000x128xf32, #tpu.memory_space<hbm>> -> memref<1000x128xf32, #tpu.memory_space<hbm>>
        %dma_wait3A_25 = arith.constant 0 : i32
        %dma_wait3A_26 = tpu.memref_slice %arg10[%mul3A_16, %dma_wait3A_25] : memref<10000x128xf32, #tpu.memory_space<vmem_shared>> -> memref<1000x128xf32, #tpu.memory_space<vmem_shared>>
        tpu.wait_dma2 semaphore(%run_scoped3A : memref<!tpu.dma_semaphore, #tpu.memory_space<semaphore_mem>>) src(%dma_wait3A_26 : memref<1000x128xf32, #tpu.memory_space<vmem_shared>>) dst(%dma_wait3A_24 : memref<1000x128xf32, #tpu.memory_space<hbm>>)
        tpu.yield
      }) : () -> ()
    } else {
    }
    return
  }
}

#map = affine_map<(d0, d1) -> (0, 0)>
#map1 = affine_map<(d0, d1) -> (0)>
#map2 = affine_map<(d0, d1) -> (0, 0, 0)>
module attributes {stable_mosaic.version = 14 : i64} {
  func.func @scat_kernel(%arg0: i32, %arg1: i32, %arg2: memref<10000x64xf32, #tpu.memory_space<hbm>>, %arg3: memref<320000xi32, #tpu.memory_space<hbm>>, %arg4: memref<320000xi32, #tpu.memory_space<hbm>>, %arg5: memref<10000x64xf32, #tpu.memory_space<hbm>>, %arg6: memref<2x10000x64xf32, #tpu.memory_space<hbm>>, %arg7: memref<80xi32, #tpu.memory_space<vmem>>, %arg8: memref<80xi32, #tpu.memory_space<vmem>>, %arg9: memref<80x64xf32, #tpu.memory_space<vmem>>, %arg10: memref<10000x64xf32, #tpu.memory_space<vmem_shared>>, %arg11: memref<!tpu.dma_semaphore, #tpu.memory_space<semaphore_mem>>) attributes {dimension_semantics = [#tpu.dimension_semantics<core_parallel>, #tpu.dimension_semantics<subcore_parallel>], iteration_bounds = array<i64: 2, 16>, scalar_prefetch = 0 : i64, scratch_operands = 5 : i64, tpu.core_type = #tpu.core_type<sc_vector_subcore>, window_params = [{transform_indices = #map}, {transform_indices = #map1}, {transform_indices = #map1}, {transform_indices = #map}, {transform_indices = #map2}]} {
    %mul3A = arith.constant 2 : i32
    %mul3A_0 = arith.muli %arg1, %mul3A : i32
    %add3A = arith.addi %mul3A_0, %arg0 : i32
    %lt3A = arith.constant 10 : i32
    %lt3A_1 = arith.cmpi slt, %arg1, %lt3A : i32
    %convert_element_type3A = arith.extui %lt3A_1 : i1 to i32
    %cond3A = arith.constant 0 : i32
    %cond3A_2 = arith.cmpi ne, %convert_element_type3A, %cond3A : i32
    scf.if %cond3A_2 {
      %mul3A_15 = arith.constant 1000 : i32
      %mul3A_16 = arith.muli %arg1, %mul3A_15 : i32
      %mul3A_17 = arith.constant 1000 : i32
      %mul3A_18 = arith.muli %arg1, %mul3A_17 : i32
      "tpu.region"() ({
        %run_scoped3A = tpu.sem_alloc : memref<!tpu.dma_semaphore, #tpu.memory_space<semaphore_mem>>
        %dma_start3A = arith.constant 0 : i32
        %dma_start3A_19 = tpu.memref_slice %arg10[%mul3A_18, %dma_start3A] : memref<10000x64xf32, #tpu.memory_space<vmem_shared>> -> memref<1000x64xf32, #tpu.memory_space<vmem_shared>>
        %dma_start3A_20 = arith.constant 0 : i32
        %dma_start3A_21 = tpu.memref_slice %arg5[%mul3A_16, %dma_start3A_20] : memref<10000x64xf32, #tpu.memory_space<hbm>> -> memref<1000x64xf32, #tpu.memory_space<hbm>>
        tpu.enqueue_dma source(%dma_start3A_21 : memref<1000x64xf32, #tpu.memory_space<hbm>>) target(%dma_start3A_19 : memref<1000x64xf32, #tpu.memory_space<vmem_shared>>) target_semaphore(%run_scoped3A : memref<!tpu.dma_semaphore, #tpu.memory_space<semaphore_mem>>)
        %dma_wait3A = arith.constant 0 : i32
        %dma_wait3A_22 = tpu.memref_slice %arg10[%mul3A_18, %dma_wait3A] : memref<10000x64xf32, #tpu.memory_space<vmem_shared>> -> memref<1000x64xf32, #tpu.memory_space<vmem_shared>>
        %dma_wait3A_23 = arith.constant 0 : i32
        %dma_wait3A_24 = tpu.memref_slice %arg5[%mul3A_16, %dma_wait3A_23] : memref<10000x64xf32, #tpu.memory_space<hbm>> -> memref<1000x64xf32, #tpu.memory_space<hbm>>
        tpu.wait_dma2 semaphore(%run_scoped3A : memref<!tpu.dma_semaphore, #tpu.memory_space<semaphore_mem>>) src(%dma_wait3A_24 : memref<1000x64xf32, #tpu.memory_space<hbm>>) dst(%dma_wait3A_22 : memref<1000x64xf32, #tpu.memory_space<vmem_shared>>)
        tpu.yield
      }) : () -> ()
    } else {
    }
    %barrier3A = arith.constant 0 : index
    tpu.barrier barrier_id(%barrier3A)
    %mul3A_3 = arith.constant 10000 : i32
    %mul3A_4 = arith.muli %add3A, %mul3A_3 : i32
    %scan3A = arith.constant 0 : i32
    %scan3A_5 = arith.constant 125 : i32
    %scan3A_6 = arith.addi %scan3A, %scan3A_5 : i32
    %scan3A_7 = arith.constant 1 : i32
    scf.for %scan3A_15 = %scan3A to %scan3A_6 step %scan3A_7  : i32 {
      %mul3A_16 = arith.constant 1 : i32
      %mul3A_17 = arith.muli %scan3A_15, %mul3A_16 : i32
      %add3A_18 = arith.constant 0 : i32
      %add3A_19 = arith.addi %add3A_18, %mul3A_17 : i32
      %mul3A_20 = arith.constant 80 : i32
      %mul3A_21 = arith.muli %add3A_19, %mul3A_20 : i32
      %add3A_22 = arith.addi %mul3A_4, %mul3A_21 : i32
      "tpu.region"() ({
        %run_scoped3A = tpu.sem_alloc : memref<!tpu.dma_semaphore, #tpu.memory_space<semaphore_mem>>
        %dma_start3A_27 = tpu.memref_slice %arg3[%add3A_22] : memref<320000xi32, #tpu.memory_space<hbm>> -> memref<80xi32, #tpu.memory_space<hbm>>
        %dma_start3A_28 = tpu.memref_slice %arg3[%add3A_22] : memref<320000xi32, #tpu.memory_space<hbm>> -> memref<80xi32, #tpu.memory_space<hbm>>
        tpu.enqueue_dma source(%dma_start3A_28 : memref<80xi32, #tpu.memory_space<hbm>>) target(%arg7 : memref<80xi32, #tpu.memory_space<vmem>>) target_semaphore(%run_scoped3A : memref<!tpu.dma_semaphore, #tpu.memory_space<semaphore_mem>>)
        %dma_wait3A_29 = tpu.memref_slice %arg3[%add3A_22] : memref<320000xi32, #tpu.memory_space<hbm>> -> memref<80xi32, #tpu.memory_space<hbm>>
        %dma_wait3A_30 = tpu.memref_slice %arg3[%add3A_22] : memref<320000xi32, #tpu.memory_space<hbm>> -> memref<80xi32, #tpu.memory_space<hbm>>
        tpu.wait_dma2 semaphore(%run_scoped3A : memref<!tpu.dma_semaphore, #tpu.memory_space<semaphore_mem>>) src(%dma_wait3A_30 : memref<80xi32, #tpu.memory_space<hbm>>) dst(%arg7 : memref<80xi32, #tpu.memory_space<vmem>>)
        tpu.yield
      }) : () -> ()
      "tpu.region"() ({
        %run_scoped3A = tpu.sem_alloc : memref<!tpu.dma_semaphore, #tpu.memory_space<semaphore_mem>>
        %dma_start3A_27 = tpu.memref_slice %arg4[%add3A_22] : memref<320000xi32, #tpu.memory_space<hbm>> -> memref<80xi32, #tpu.memory_space<hbm>>
        %dma_start3A_28 = tpu.memref_slice %arg4[%add3A_22] : memref<320000xi32, #tpu.memory_space<hbm>> -> memref<80xi32, #tpu.memory_space<hbm>>
        tpu.enqueue_dma source(%dma_start3A_28 : memref<80xi32, #tpu.memory_space<hbm>>) target(%arg8 : memref<80xi32, #tpu.memory_space<vmem>>) target_semaphore(%run_scoped3A : memref<!tpu.dma_semaphore, #tpu.memory_space<semaphore_mem>>)
        %dma_wait3A_29 = tpu.memref_slice %arg4[%add3A_22] : memref<320000xi32, #tpu.memory_space<hbm>> -> memref<80xi32, #tpu.memory_space<hbm>>
        %dma_wait3A_30 = tpu.memref_slice %arg4[%add3A_22] : memref<320000xi32, #tpu.memory_space<hbm>> -> memref<80xi32, #tpu.memory_space<hbm>>
        tpu.wait_dma2 semaphore(%run_scoped3A : memref<!tpu.dma_semaphore, #tpu.memory_space<semaphore_mem>>) src(%dma_wait3A_30 : memref<80xi32, #tpu.memory_space<hbm>>) dst(%arg8 : memref<80xi32, #tpu.memory_space<vmem>>)
        tpu.yield
      }) : () -> ()
      %dma_start3A = arith.constant 0 : i32
      %dma_start3A_23 = arith.constant 0 : i32
      %dma_start3A_24 = tpu.memref_slice %arg2[%dma_start3A, %dma_start3A_23] : memref<10000x64xf32, #tpu.memory_space<hbm>> -> memref<10000x64xf32, #tpu.memory_space<hbm>>
      tpu.enqueue_indirect_dma source(%dma_start3A_24 : memref<10000x64xf32, #tpu.memory_space<hbm>>) target(%arg9 : memref<80x64xf32, #tpu.memory_space<vmem>>) offsets(%arg7 : memref<80xi32, #tpu.memory_space<vmem>>) semaphore(%arg11 : memref<!tpu.dma_semaphore, #tpu.memory_space<semaphore_mem>>)
      %dma_wait3A = arith.constant 0 : i32
      %dma_wait3A_25 = arith.constant 0 : i32
      %dma_wait3A_26 = tpu.memref_slice %arg2[%dma_wait3A, %dma_wait3A_25] : memref<10000x64xf32, #tpu.memory_space<hbm>> -> memref<10000x64xf32, #tpu.memory_space<hbm>>
      tpu.wait_indirect_dma semaphore(%arg11 : memref<!tpu.dma_semaphore, #tpu.memory_space<semaphore_mem>>) src(%dma_wait3A_26 : memref<10000x64xf32, #tpu.memory_space<hbm>>) dst(%arg9 : memref<80x64xf32, #tpu.memory_space<vmem>>)
      "tpu.region"() ({
        %run_scoped3A = tpu.sem_alloc : memref<!tpu.dma_semaphore, #tpu.memory_space<semaphore_mem>>
        %dma_start3A_27 = arith.constant 0 : i32
        %dma_start3A_28 = arith.constant 0 : i32
        %dma_start3A_29 = tpu.memref_slice %arg10[%dma_start3A_27, %dma_start3A_28] : memref<10000x64xf32, #tpu.memory_space<vmem_shared>> -> memref<10000x64xf32, #tpu.memory_space<vmem_shared>>
        tpu.enqueue_indirect_dma source(%arg9 : memref<80x64xf32, #tpu.memory_space<vmem>>) target(%dma_start3A_29 : memref<10000x64xf32, #tpu.memory_space<vmem_shared>>) offsets(%arg8 : memref<80xi32, #tpu.memory_space<vmem>>) semaphore(%run_scoped3A : memref<!tpu.dma_semaphore, #tpu.memory_space<semaphore_mem>>) {add = true}
        %dma_wait3A_30 = arith.constant 0 : i32
        %dma_wait3A_31 = arith.constant 0 : i32
        %dma_wait3A_32 = tpu.memref_slice %arg10[%dma_wait3A_30, %dma_wait3A_31] : memref<10000x64xf32, #tpu.memory_space<vmem_shared>> -> memref<10000x64xf32, #tpu.memory_space<vmem_shared>>
        tpu.wait_indirect_dma semaphore(%run_scoped3A : memref<!tpu.dma_semaphore, #tpu.memory_space<semaphore_mem>>) src(%arg9 : memref<80x64xf32, #tpu.memory_space<vmem>>) dst(%dma_wait3A_32 : memref<10000x64xf32, #tpu.memory_space<vmem_shared>>)
        tpu.yield
      }) : () -> ()
    }
    %scan3A_8 = arith.constant 125 : i32
    %barrier3A_9 = arith.constant 0 : index
    tpu.barrier barrier_id(%barrier3A_9)
    %lt3A_10 = arith.constant 10 : i32
    %lt3A_11 = arith.cmpi slt, %arg1, %lt3A_10 : i32
    %convert_element_type3A_12 = arith.extui %lt3A_11 : i1 to i32
    %cond3A_13 = arith.constant 0 : i32
    %cond3A_14 = arith.cmpi ne, %convert_element_type3A_12, %cond3A_13 : i32
    scf.if %cond3A_14 {
      %mul3A_15 = arith.constant 1000 : i32
      %mul3A_16 = arith.muli %arg1, %mul3A_15 : i32
      %mul3A_17 = arith.constant 1000 : i32
      %mul3A_18 = arith.muli %arg1, %mul3A_17 : i32
      "tpu.region"() ({
        %run_scoped3A = tpu.sem_alloc : memref<!tpu.dma_semaphore, #tpu.memory_space<semaphore_mem>>
        %dma_start3A = arith.constant 0 : i32
        %dma_start3A_19 = tpu.memref_slice %arg6[%arg0, %mul3A_18, %dma_start3A] : memref<2x10000x64xf32, #tpu.memory_space<hbm>> -> memref<1x1000x64xf32, #tpu.memory_space<hbm>>
        %dma_start3A_20 = tpu.memref_squeeze %dma_start3A_19 : memref<1x1000x64xf32, #tpu.memory_space<hbm>> -> memref<1000x64xf32, #tpu.memory_space<hbm>>
        %dma_start3A_21 = arith.constant 0 : i32
        %dma_start3A_22 = tpu.memref_slice %arg10[%mul3A_16, %dma_start3A_21] : memref<10000x64xf32, #tpu.memory_space<vmem_shared>> -> memref<1000x64xf32, #tpu.memory_space<vmem_shared>>
        tpu.enqueue_dma source(%dma_start3A_22 : memref<1000x64xf32, #tpu.memory_space<vmem_shared>>) target(%dma_start3A_20 : memref<1000x64xf32, #tpu.memory_space<hbm>>) target_semaphore(%run_scoped3A : memref<!tpu.dma_semaphore, #tpu.memory_space<semaphore_mem>>)
        %dma_wait3A = arith.constant 0 : i32
        %dma_wait3A_23 = tpu.memref_slice %arg6[%arg0, %mul3A_18, %dma_wait3A] : memref<2x10000x64xf32, #tpu.memory_space<hbm>> -> memref<1x1000x64xf32, #tpu.memory_space<hbm>>
        %dma_wait3A_24 = tpu.memref_squeeze %dma_wait3A_23 : memref<1x1000x64xf32, #tpu.memory_space<hbm>> -> memref<1000x64xf32, #tpu.memory_space<hbm>>
        %dma_wait3A_25 = arith.constant 0 : i32
        %dma_wait3A_26 = tpu.memref_slice %arg10[%mul3A_16, %dma_wait3A_25] : memref<10000x64xf32, #tpu.memory_space<vmem_shared>> -> memref<1000x64xf32, #tpu.memory_space<vmem_shared>>
        tpu.wait_dma2 semaphore(%run_scoped3A : memref<!tpu.dma_semaphore, #tpu.memory_space<semaphore_mem>>) src(%dma_wait3A_26 : memref<1000x64xf32, #tpu.memory_space<vmem_shared>>) dst(%dma_wait3A_24 : memref<1000x64xf32, #tpu.memory_space<hbm>>)
        tpu.yield
      }) : () -> ()
    } else {
    }
    return
  }
}

module attributes {stable_mosaic.version = 14 : i64} {
  func.func @body(%arg0: i32, %arg1: memref<1000x128xf32, #tpu.memory_space<vmem>>, %arg2: memref<128x128xf32, #tpu.memory_space<vmem>>, %arg3: memref<2x1000x16xf32, #tpu.memory_space<vmem>>, %arg4: memref<1000x128xf32, #tpu.memory_space<vmem>>) attributes {dimension_semantics = [#tpu.dimension_semantics<arbitrary>], iteration_bounds = array<i64: 10>, scalar_prefetch = 0 : i64, scratch_operands = 0 : i64, tpu.core_type = #tpu.core_type<tc>, window_params = [{transform_indices = @transform_0, window_bounds = array<i64: 1000, 128>}, {pipeline_mode = #tpu.pipeline_mode<synchronous>, transform_indices = @transform_1, window_bounds = array<i64: 128, 128>}, {transform_indices = @transform_2, window_bounds = array<i64: 2, 1000, 16>}, {transform_indices = @transform_3, window_bounds = array<i64: 1000, 128>}]} {
    %get3A = arith.constant 0 : index
    %get3A_0 = arith.constant 0 : index
    %get3A_1 = vector.load %arg1[%get3A, %get3A_0] : memref<1000x128xf32, #tpu.memory_space<vmem>>, vector<1000x128xf32>
    %get3A_2 = arith.constant 0 : index
    %get3A_3 = arith.constant 0 : index
    %get3A_4 = vector.load %arg2[%get3A_2, %get3A_3] : memref<128x128xf32, #tpu.memory_space<vmem>>, vector<128x128xf32>
    %dot_general3A = arith.constant dense<0.000000e+00> : vector<1000x128xf32>
    %dot_general3A_5 = tpu.matmul %get3A_1, %get3A_4, %dot_general3A {dimension_numbers = #tpu.dot_dimension_numbers<[1], [0], [0], [1], [0, 0, 1, 1], [], []>, transpose_lhs_hint = false} : vector<1000x128xf32>, vector<128x128xf32>, vector<1000x128xf32> -> vector<1000x128xf32>
    %get3A_6 = arith.constant 0 : index
    %get3A_7 = arith.constant 0 : index
    %get3A_8 = arith.constant 0 : index
    %get3A_9 = vector.load %arg3[%get3A_6, %get3A_7, %get3A_8] : memref<2x1000x16xf32, #tpu.memory_space<vmem>>, vector<1x1000x1xf32>
    %get3A_10 = vector.shape_cast %get3A_9 : vector<1x1000x1xf32> to vector<1000xf32>
    %get3A_11 = arith.constant 1 : index
    %get3A_12 = arith.constant 0 : index
    %get3A_13 = arith.constant 0 : index
    %get3A_14 = vector.load %arg3[%get3A_11, %get3A_12, %get3A_13] : memref<2x1000x16xf32, #tpu.memory_space<vmem>>, vector<1x1000x1xf32>
    %get3A_15 = vector.shape_cast %get3A_14 : vector<1x1000x1xf32> to vector<1000xf32>
    %add3A = arith.addf %get3A_10, %get3A_15 : vector<1000xf32>
    %add3A_16 = arith.constant 1.000000e+00 : f32
    %add3A_17 = vector.broadcast %add3A_16 : f32 to vector<1000xf32>
    %add3A_18 = arith.addf %add3A, %add3A_17 : vector<1000xf32>
    %rsqrt3A = math.rsqrt %add3A_18 : vector<1000xf32>
    %broadcast_in_dim3A = vector.shape_cast %rsqrt3A : vector<1000xf32> to vector<1000x1xf32>
    %mul3A = vector.broadcast %broadcast_in_dim3A : vector<1000x1xf32> to vector<1000x128xf32>
    %mul3A_19 = arith.mulf %dot_general3A_5, %mul3A : vector<1000x128xf32>
    %swap3A = arith.constant 0 : index
    %swap3A_20 = arith.constant 0 : index
    %swap3A_21 = vector.load %arg4[%swap3A, %swap3A_20] : memref<1000x128xf32, #tpu.memory_space<vmem>>, vector<1000x128xf32>
    tpu.vector_store %arg4[%swap3A, %swap3A_20], %mul3A_19 {strides = array<i32>} : memref<1000x128xf32, #tpu.memory_space<vmem>>, vector<1000x128xf32>,
    return
  }
  func.func @transform_0(%arg0: i32) -> (i32, i32) {
    %c0_i32 = arith.constant 0 : i32
    %c0_i32_0 = arith.constant 0 : i32
    return %arg0, %c0_i32 : i32, i32
  }
  func.func @transform_1(%arg0: i32) -> (i32, i32) {
    %c0_i32 = arith.constant 0 : i32
    %c0_i32_0 = arith.constant 0 : i32
    %c0_i32_1 = arith.constant 0 : i32
    return %c0_i32, %c0_i32_0 : i32, i32
  }
  func.func @transform_2(%arg0: i32) -> (i32, i32, i32) {
    %c0_i32 = arith.constant 0 : i32
    %c0_i32_0 = arith.constant 0 : i32
    %c0_i32_1 = arith.constant 0 : i32
    return %c0_i32, %arg0, %c0_i32_0 : i32, i32, i32
  }
  func.func @transform_3(%arg0: i32) -> (i32, i32) {
    %c0_i32 = arith.constant 0 : i32
    %c0_i32_0 = arith.constant 0 : i32
    return %arg0, %c0_i32 : i32, i32
  }
}

module attributes {stable_mosaic.version = 14 : i64} {
  func.func @body(%arg0: i32, %arg1: memref<2x1000x128xf32, #tpu.memory_space<vmem>>, %arg2: memref<1000x128xf32, #tpu.memory_space<vmem>>, %arg3: memref<2x1000x16xf32, #tpu.memory_space<vmem>>, %arg4: memref<128x64xf32, #tpu.memory_space<vmem>>, %arg5: memref<1x128xf32, #tpu.memory_space<vmem>>, %arg6: memref<1000x64xf32, #tpu.memory_space<vmem>>) attributes {dimension_semantics = [#tpu.dimension_semantics<arbitrary>], iteration_bounds = array<i64: 10>, scalar_prefetch = 0 : i64, scratch_operands = 0 : i64, tpu.core_type = #tpu.core_type<tc>, window_params = [{transform_indices = @transform_0, window_bounds = array<i64: 2, 1000, 128>}, {transform_indices = @transform_1, window_bounds = array<i64: 1000, 128>}, {transform_indices = @transform_2, window_bounds = array<i64: 2, 1000, 16>}, {pipeline_mode = #tpu.pipeline_mode<synchronous>, transform_indices = @transform_3, window_bounds = array<i64: 128, 64>}, {pipeline_mode = #tpu.pipeline_mode<synchronous>, transform_indices = @transform_4, window_bounds = array<i64: 1, 128>}, {transform_indices = @transform_5, window_bounds = array<i64: 1000, 64>}]} {
    %get3A = arith.constant 0 : index
    %get3A_0 = arith.constant 0 : index
    %get3A_1 = arith.constant 0 : index
    %get3A_2 = vector.load %arg3[%get3A, %get3A_0, %get3A_1] : memref<2x1000x16xf32, #tpu.memory_space<vmem>>, vector<1x1000x1xf32>
    %get3A_3 = vector.shape_cast %get3A_2 : vector<1x1000x1xf32> to vector<1000xf32>
    %get3A_4 = arith.constant 1 : index
    %get3A_5 = arith.constant 0 : index
    %get3A_6 = arith.constant 0 : index
    %get3A_7 = vector.load %arg3[%get3A_4, %get3A_5, %get3A_6] : memref<2x1000x16xf32, #tpu.memory_space<vmem>>, vector<1x1000x1xf32>
    %get3A_8 = vector.shape_cast %get3A_7 : vector<1x1000x1xf32> to vector<1000xf32>
    %add3A = arith.addf %get3A_3, %get3A_8 : vector<1000xf32>
    %add3A_9 = arith.constant 1.000000e+00 : f32
    %add3A_10 = vector.broadcast %add3A_9 : f32 to vector<1000xf32>
    %add3A_11 = arith.addf %add3A, %add3A_10 : vector<1000xf32>
    %rsqrt3A = math.rsqrt %add3A_11 : vector<1000xf32>
    %broadcast_in_dim3A = vector.shape_cast %rsqrt3A : vector<1000xf32> to vector<1000x1xf32>
    %get3A_12 = arith.constant 0 : index
    %get3A_13 = arith.constant 0 : index
    %get3A_14 = arith.constant 0 : index
    %get3A_15 = vector.load %arg1[%get3A_12, %get3A_13, %get3A_14] : memref<2x1000x128xf32, #tpu.memory_space<vmem>>, vector<1x1000x128xf32>
    %get3A_16 = vector.shape_cast %get3A_15 : vector<1x1000x128xf32> to vector<1000x128xf32>
    %get3A_17 = arith.constant 1 : index
    %get3A_18 = arith.constant 0 : index
    %get3A_19 = arith.constant 0 : index
    %get3A_20 = vector.load %arg1[%get3A_17, %get3A_18, %get3A_19] : memref<2x1000x128xf32, #tpu.memory_space<vmem>>, vector<1x1000x128xf32>
    %get3A_21 = vector.shape_cast %get3A_20 : vector<1x1000x128xf32> to vector<1000x128xf32>
    %add3A_22 = arith.addf %get3A_16, %get3A_21 : vector<1000x128xf32>
    %get3A_23 = arith.constant 0 : index
    %get3A_24 = arith.constant 0 : index
    %get3A_25 = vector.load %arg2[%get3A_23, %get3A_24] : memref<1000x128xf32, #tpu.memory_space<vmem>>, vector<1000x128xf32>
    %add3A_26 = arith.addf %add3A_22, %get3A_25 : vector<1000x128xf32>
    %mul3A = vector.broadcast %broadcast_in_dim3A : vector<1000x1xf32> to vector<1000x128xf32>
    %mul3A_27 = arith.mulf %add3A_26, %mul3A : vector<1000x128xf32>
    %get3A_28 = arith.constant 0 : index
    %get3A_29 = arith.constant 0 : index
    %get3A_30 = vector.load %arg5[%get3A_28, %get3A_29] : memref<1x128xf32, #tpu.memory_space<vmem>>, vector<1x128xf32>
    %get3A_31 = vector.shape_cast %get3A_30 : vector<1x128xf32> to vector<128xf32>
    %broadcast_in_dim3A_32 = vector.shape_cast %get3A_31 : vector<128xf32> to vector<1x128xf32>
    %add3A_33 = vector.broadcast %broadcast_in_dim3A_32 : vector<1x128xf32> to vector<1000x128xf32>
    %add3A_34 = arith.addf %mul3A_27, %add3A_33 : vector<1000x128xf32>
    %max3A = arith.constant 0.000000e+00 : f32
    %max3A_35 = vector.broadcast %max3A : f32 to vector<1000x128xf32>
    %max3A_36 = arith.maximumf %add3A_34, %max3A_35 : vector<1000x128xf32>
    %get3A_37 = arith.constant 0 : index
    %get3A_38 = arith.constant 0 : index
    %get3A_39 = vector.load %arg4[%get3A_37, %get3A_38] : memref<128x64xf32, #tpu.memory_space<vmem>>, vector<128x64xf32>
    %dot_general3A = arith.constant dense<0.000000e+00> : vector<1000x64xf32>
    %dot_general3A_40 = tpu.matmul %max3A_36, %get3A_39, %dot_general3A {dimension_numbers = #tpu.dot_dimension_numbers<[1], [0], [0], [1], [0, 0, 1, 1], [], []>, transpose_lhs_hint = false} : vector<1000x128xf32>, vector<128x64xf32>, vector<1000x64xf32> -> vector<1000x64xf32>
    %mul3A_41 = vector.broadcast %broadcast_in_dim3A : vector<1000x1xf32> to vector<1000x64xf32>
    %mul3A_42 = arith.mulf %dot_general3A_40, %mul3A_41 : vector<1000x64xf32>
    %swap3A = arith.constant 0 : index
    %swap3A_43 = arith.constant 0 : index
    %swap3A_44 = vector.load %arg6[%swap3A, %swap3A_43] : memref<1000x64xf32, #tpu.memory_space<vmem>>, vector<1000x64xf32>
    tpu.vector_store %arg6[%swap3A, %swap3A_43], %mul3A_42 {strides = array<i32>} : memref<1000x64xf32, #tpu.memory_space<vmem>>, vector<1000x64xf32>,
    return
  }
  func.func @transform_0(%arg0: i32) -> (i32, i32, i32) {
    %c0_i32 = arith.constant 0 : i32
    %c0_i32_0 = arith.constant 0 : i32
    %c0_i32_1 = arith.constant 0 : i32
    return %c0_i32, %arg0, %c0_i32_0 : i32, i32, i32
  }
  func.func @transform_1(%arg0: i32) -> (i32, i32) {
    %c0_i32 = arith.constant 0 : i32
    %c0_i32_0 = arith.constant 0 : i32
    return %arg0, %c0_i32 : i32, i32
  }
  func.func @transform_2(%arg0: i32) -> (i32, i32, i32) {
    %c0_i32 = arith.constant 0 : i32
    %c0_i32_0 = arith.constant 0 : i32
    %c0_i32_1 = arith.constant 0 : i32
    return %c0_i32, %arg0, %c0_i32_0 : i32, i32, i32
  }
  func.func @transform_3(%arg0: i32) -> (i32, i32) {
    %c0_i32 = arith.constant 0 : i32
    %c0_i32_0 = arith.constant 0 : i32
    %c0_i32_1 = arith.constant 0 : i32
    return %c0_i32, %c0_i32_0 : i32, i32
  }
  func.func @transform_4(%arg0: i32) -> (i32, i32) {
    %c0_i32 = arith.constant 0 : i32
    %c0_i32_0 = arith.constant 0 : i32
    %c0_i32_1 = arith.constant 0 : i32
    return %c0_i32, %c0_i32_0 : i32, i32
  }
  func.func @transform_5(%arg0: i32) -> (i32, i32) {
    %c0_i32 = arith.constant 0 : i32
    %c0_i32_0 = arith.constant 0 : i32
    return %arg0, %c0_i32 : i32, i32
  }
}

module attributes {stable_mosaic.version = 14 : i64} {
  func.func @body(%arg0: i32, %arg1: memref<2x1000x64xf32, #tpu.memory_space<vmem>>, %arg2: memref<1000x64xf32, #tpu.memory_space<vmem>>, %arg3: memref<2x1000x16xf32, #tpu.memory_space<vmem>>, %arg4: memref<64x40xf32, #tpu.memory_space<vmem>>, %arg5: memref<1x64xf32, #tpu.memory_space<vmem>>, %arg6: memref<1x40xf32, #tpu.memory_space<vmem>>, %arg7: memref<1000x40xf32, #tpu.memory_space<vmem>>) attributes {dimension_semantics = [#tpu.dimension_semantics<arbitrary>], iteration_bounds = array<i64: 10>, scalar_prefetch = 0 : i64, scratch_operands = 0 : i64, tpu.core_type = #tpu.core_type<tc>, window_params = [{transform_indices = @transform_0, window_bounds = array<i64: 2, 1000, 64>}, {transform_indices = @transform_1, window_bounds = array<i64: 1000, 64>}, {transform_indices = @transform_2, window_bounds = array<i64: 2, 1000, 16>}, {pipeline_mode = #tpu.pipeline_mode<synchronous>, transform_indices = @transform_3, window_bounds = array<i64: 64, 40>}, {pipeline_mode = #tpu.pipeline_mode<synchronous>, transform_indices = @transform_4, window_bounds = array<i64: 1, 64>}, {pipeline_mode = #tpu.pipeline_mode<synchronous>, transform_indices = @transform_5, window_bounds = array<i64: 1, 40>}, {transform_indices = @transform_6, window_bounds = array<i64: 1000, 40>}]} {
    %get3A = arith.constant 0 : index
    %get3A_0 = arith.constant 0 : index
    %get3A_1 = arith.constant 0 : index
    %get3A_2 = vector.load %arg3[%get3A, %get3A_0, %get3A_1] : memref<2x1000x16xf32, #tpu.memory_space<vmem>>, vector<1x1000x1xf32>
    %get3A_3 = vector.shape_cast %get3A_2 : vector<1x1000x1xf32> to vector<1000xf32>
    %get3A_4 = arith.constant 1 : index
    %get3A_5 = arith.constant 0 : index
    %get3A_6 = arith.constant 0 : index
    %get3A_7 = vector.load %arg3[%get3A_4, %get3A_5, %get3A_6] : memref<2x1000x16xf32, #tpu.memory_space<vmem>>, vector<1x1000x1xf32>
    %get3A_8 = vector.shape_cast %get3A_7 : vector<1x1000x1xf32> to vector<1000xf32>
    %add3A = arith.addf %get3A_3, %get3A_8 : vector<1000xf32>
    %add3A_9 = arith.constant 1.000000e+00 : f32
    %add3A_10 = vector.broadcast %add3A_9 : f32 to vector<1000xf32>
    %add3A_11 = arith.addf %add3A, %add3A_10 : vector<1000xf32>
    %rsqrt3A = math.rsqrt %add3A_11 : vector<1000xf32>
    %broadcast_in_dim3A = vector.shape_cast %rsqrt3A : vector<1000xf32> to vector<1000x1xf32>
    %get3A_12 = arith.constant 0 : index
    %get3A_13 = arith.constant 0 : index
    %get3A_14 = arith.constant 0 : index
    %get3A_15 = vector.load %arg1[%get3A_12, %get3A_13, %get3A_14] : memref<2x1000x64xf32, #tpu.memory_space<vmem>>, vector<1x1000x64xf32>
    %get3A_16 = vector.shape_cast %get3A_15 : vector<1x1000x64xf32> to vector<1000x64xf32>
    %get3A_17 = arith.constant 1 : index
    %get3A_18 = arith.constant 0 : index
    %get3A_19 = arith.constant 0 : index
    %get3A_20 = vector.load %arg1[%get3A_17, %get3A_18, %get3A_19] : memref<2x1000x64xf32, #tpu.memory_space<vmem>>, vector<1x1000x64xf32>
    %get3A_21 = vector.shape_cast %get3A_20 : vector<1x1000x64xf32> to vector<1000x64xf32>
    %add3A_22 = arith.addf %get3A_16, %get3A_21 : vector<1000x64xf32>
    %get3A_23 = arith.constant 0 : index
    %get3A_24 = arith.constant 0 : index
    %get3A_25 = vector.load %arg2[%get3A_23, %get3A_24] : memref<1000x64xf32, #tpu.memory_space<vmem>>, vector<1000x64xf32>
    %add3A_26 = arith.addf %add3A_22, %get3A_25 : vector<1000x64xf32>
    %mul3A = vector.broadcast %broadcast_in_dim3A : vector<1000x1xf32> to vector<1000x64xf32>
    %mul3A_27 = arith.mulf %add3A_26, %mul3A : vector<1000x64xf32>
    %get3A_28 = arith.constant 0 : index
    %get3A_29 = arith.constant 0 : index
    %get3A_30 = vector.load %arg5[%get3A_28, %get3A_29] : memref<1x64xf32, #tpu.memory_space<vmem>>, vector<1x64xf32>
    %get3A_31 = vector.shape_cast %get3A_30 : vector<1x64xf32> to vector<64xf32>
    %broadcast_in_dim3A_32 = vector.shape_cast %get3A_31 : vector<64xf32> to vector<1x64xf32>
    %add3A_33 = vector.broadcast %broadcast_in_dim3A_32 : vector<1x64xf32> to vector<1000x64xf32>
    %add3A_34 = arith.addf %mul3A_27, %add3A_33 : vector<1000x64xf32>
    %get3A_35 = arith.constant 0 : index
    %get3A_36 = arith.constant 0 : index
    %get3A_37 = vector.load %arg4[%get3A_35, %get3A_36] : memref<64x40xf32, #tpu.memory_space<vmem>>, vector<64x40xf32>
    %dot_general3A = arith.constant dense<0.000000e+00> : vector<1000x40xf32>
    %dot_general3A_38 = tpu.matmul %add3A_34, %get3A_37, %dot_general3A {dimension_numbers = #tpu.dot_dimension_numbers<[1], [0], [0], [1], [0, 0, 1, 1], [], []>, transpose_lhs_hint = false} : vector<1000x64xf32>, vector<64x40xf32>, vector<1000x40xf32> -> vector<1000x40xf32>
    %get3A_39 = arith.constant 0 : index
    %get3A_40 = arith.constant 0 : index
    %get3A_41 = vector.load %arg6[%get3A_39, %get3A_40] : memref<1x40xf32, #tpu.memory_space<vmem>>, vector<1x40xf32>
    %get3A_42 = vector.shape_cast %get3A_41 : vector<1x40xf32> to vector<40xf32>
    %broadcast_in_dim3A_43 = vector.shape_cast %get3A_42 : vector<40xf32> to vector<1x40xf32>
    %add3A_44 = vector.broadcast %broadcast_in_dim3A_43 : vector<1x40xf32> to vector<1000x40xf32>
    %add3A_45 = arith.addf %dot_general3A_38, %add3A_44 : vector<1000x40xf32>
    %reduce_max3A = arith.constant dense<0xFF800000> : vector<1000xf32>
    %reduce_max3A_46 = vector.multi_reduction <maximumf>, %add3A_45, %reduce_max3A [1] : vector<1000x40xf32> to vector<1000xf32>
    %broadcast_in_dim3A_47 = vector.shape_cast %reduce_max3A_46 : vector<1000xf32> to vector<1000x1xf32>
    %sub3A = vector.broadcast %broadcast_in_dim3A_47 : vector<1000x1xf32> to vector<1000x40xf32>
    %sub3A_48 = arith.subf %add3A_45, %sub3A : vector<1000x40xf32>
    %exp3A = math.exp %sub3A_48 : vector<1000x40xf32>
    %reduce_sum3A = arith.constant dense<0.000000e+00> : vector<1000xf32>
    %reduce_sum3A_49 = vector.multi_reduction <add>, %exp3A, %reduce_sum3A [1] : vector<1000x40xf32> to vector<1000xf32>
    %broadcast_in_dim3A_50 = vector.shape_cast %reduce_sum3A_49 : vector<1000xf32> to vector<1000x1xf32>
    %log3A = math.log %broadcast_in_dim3A_50 : vector<1000x1xf32>
    %sub3A_51 = vector.broadcast %log3A : vector<1000x1xf32> to vector<1000x40xf32>
    %sub3A_52 = arith.subf %sub3A_48, %sub3A_51 : vector<1000x40xf32>
    %swap3A = arith.constant 0 : index
    %swap3A_53 = arith.constant 0 : index
    %swap3A_54 = vector.load %arg7[%swap3A, %swap3A_53] : memref<1000x40xf32, #tpu.memory_space<vmem>>, vector<1000x40xf32>
    tpu.vector_store %arg7[%swap3A, %swap3A_53], %sub3A_52 {strides = array<i32>} : memref<1000x40xf32, #tpu.memory_space<vmem>>, vector<1000x40xf32>,
    return
  }
  func.func @transform_0(%arg0: i32) -> (i32, i32, i32) {
    %c0_i32 = arith.constant 0 : i32
    %c0_i32_0 = arith.constant 0 : i32
    %c0_i32_1 = arith.constant 0 : i32
    return %c0_i32, %arg0, %c0_i32_0 : i32, i32, i32
  }
  func.func @transform_1(%arg0: i32) -> (i32, i32) {
    %c0_i32 = arith.constant 0 : i32
    %c0_i32_0 = arith.constant 0 : i32
    return %arg0, %c0_i32 : i32, i32
  }
  func.func @transform_2(%arg0: i32) -> (i32, i32, i32) {
    %c0_i32 = arith.constant 0 : i32
    %c0_i32_0 = arith.constant 0 : i32
    %c0_i32_1 = arith.constant 0 : i32
    return %c0_i32, %arg0, %c0_i32_0 : i32, i32, i32
  }
  func.func @transform_3(%arg0: i32) -> (i32, i32) {
    %c0_i32 = arith.constant 0 : i32
    %c0_i32_0 = arith.constant 0 : i32
    %c0_i32_1 = arith.constant 0 : i32
    return %c0_i32, %c0_i32_0 : i32, i32
  }
  func.func @transform_4(%arg0: i32) -> (i32, i32) {
    %c0_i32 = arith.constant 0 : i32
    %c0_i32_0 = arith.constant 0 : i32
    %c0_i32_1 = arith.constant 0 : i32
    return %c0_i32, %c0_i32_0 : i32, i32
  }
  func.func @transform_5(%arg0: i32) -> (i32, i32) {
    %c0_i32 = arith.constant 0 : i32
    %c0_i32_0 = arith.constant 0 : i32
    %c0_i32_1 = arith.constant 0 : i32
    return %c0_i32, %c0_i32_0 : i32, i32
  }
  func.func @transform_6(%arg0: i32) -> (i32, i32) {
    %c0_i32 = arith.constant 0 : i32
    %c0_i32_0 = arith.constant 0 : i32
    return %arg0, %c0_i32 : i32, i32
  }
}

</mosaic_0001>

<sc_bundles>
// kernel: _impl.11.cloned.1.call-start
scs
__scs_entry_jumppad:
0x0: {  	(pc) =	sbr.rel $0x88, $3  }
0x1: {  	(tag) =	ssettag $0x0;
	lr =	simm.s32 $0x1  }
0x2: {  	[smem:$0x3F99] =	sst lr;
	_ =	strace $0xD0000000  }
0x3: {  	_ = 	snop  }
0x4: {  	_ = 	snop  }
0x5: {  	_ = 	snop  }
0x6: {  	_ = 	snop  }
0x7: {  	_ = 	snop  }
__scs_overlays_trampoline_lowered:
0x8: {  	[smem:$0x3FA8] =	sst s0  }
0x9: {  	[smem:$0x3FA9] =	sst s1  }
0xa: {  	[smem:$0x3FAA] =	sst s2  }
0xb: {  	[smem:$0x3FAB] =	sst s3  }
0xc: {  	[smem:$0x3FAC] =	sst s4  }
0xd: {  	[smem:$0x3FAD] =	sst s5  }
0xe: {  	[smem:$0x3FAE] =	sst s6  }
0xf: {  	[smem:$0x3FAF] =	sst s7  }
0x10: {  	[smem:$0x3FB0] =	sst s8  }
0x11: {  	[smem:$0x3FB1] =	sst s9;
	s0 =	simm.s32 @!p0 $0x0  }
0x12: {  	s1 =	sld [smem:$0x3F97];
	s0 =	simm.s32 @p0 $0x1  }
0x13: {  	[smem:$0x3FB2] =	sst s0;
	s0 =	simm.s32 @!p1 $0x0  }
0x14: {  	s2 =	sld [smem:$0x3F96];
	s0 =	simm.s32 @p1 $0x1  }
0x15: {  	[smem:$0x3FB3] =	sst s0;
	s0 =	simm.s32 @!p2 $0x0  }
0x16: {  	s3 =	sld [smem:$0x3FDB];
	s0 =	simm.s32 @p2 $0x1  }
0x17: {  	s4 =	simm.s32 $0x1BF5;
	[smem:$0x3FB5] =	sst s0  }
0x18: {  	s0 =	sld [smem:$0x3F98];
	_ =	swait.ge [sflag:s4], $0x0  }
0x19: {  	s7 =	sld [smem:$0x3F99]  }
0x1a: {  	s8 =	sadd.s32 $0xFFFFE003, lr  }
0x1b: {  	s9 =	sadd.s32 $0xFFFFFEF7, lr;
	s5 =	simm.s32 $0xFFFFFFFF;
	p2 =	slt.u32 s8, $0xFFFFF086  }
0x1c: {  	p1 =	slt.u32 s9, $0xF7A;
	s5 =	simm.s32 @!p2 $0x0  }
0x1d: {  	s5 =	simm.s32 @p1 $0x1;
	p0 =	seq.s32 s7, s2  }
0x1e: {  	s7 =	smul.u32 @!p0 $0xF7A, s2;
	p2 =	seq.s32 @!p0 s5, $0x0  }
0x1f: {  	s9 =	smul.u32 $0xF7A, s1;
	s8 =	simm.s32 @!p0 $0x1BF5;
	p2 =	por !p2, p0  }
0x20: {  	[sflag:s8] =	ssyncset.s32 @!p0 $0xFFFFF086;
	s6 =	sadd.s32 @!p0 s3, s7;
	s7 =	simm.s32 @!p0 $0x108  }
0x21: {  	s3 =	sadd.s32 s3, s9;
	s6 =	sadd.s32 @!p0 $0x88, s6;
	s7 =	simm.s32 @p2 $0x1082  }
0x22: {  	[simem:s7], [sflag:s8] =	dma.local @!p0 [hbm:s6], $0xF7A  }
0x23: {  	s9 =	sor.u32 $0xD0000000, s2;
	s6 =	simm.s32 $0x108;
	_ =	swait.ge @!p0 [sflag:s8], $0x0  }
0x24: {  	s3 =	sadd.s32 $0x88, s3;
	s6 =	simm.s32 @!p1 $0x1082;
	[sflag:s4] =	ssyncset.s32 $0xFFFFF086  }
0x25: {  	[simem:s6], [sflag:s4] =	dma.local [hbm:s3], $0xF7A  }
0x26: {  	[smem:$0x3F99] =	sst s1;
	(tag) =	ssettag s2;
	_ =	strace s9  }
0x27: {  	s1 =	sld [smem:$0x3FA9]  }
0x28: {  	s2 =	sld [smem:$0x3FAA]  }
0x29: {  	s4 =	sld [smem:$0x3FAC]  }
0x2a: {  	p0 =	seq.s32 s5, $0x0;
	s5 =	sld [smem:$0x3FAD]  }
0x2b: {  	s6 =	sld [smem:$0x3FAE]  }
0x2c: {  	s7 =	sld [smem:$0x3FAF]  }
0x2d: {  	s3 =	simm.s32 $0x108;
	s8 =	sld [smem:$0x3FB0]  }
0x2e: {  	s3 =	simm.s32 @!p0 $0x1082;
	s9 =	sld [smem:$0x3FB1]  }
0x2f: {  	lr =	sadd.s32 s0, s3;
	s0 =	sld [smem:$0x3FA8]  }
0x30: {  	s3 =	sld [smem:$0x3FAB]  }
0x31: {  	[smem:$0x3FB4] =	sst s10  }
0x32: {  	s10 =	sld [smem:$0x3FB2];
	_ =	sdelay $0x3  }
0x33: {  	p0 =	seq.s32 s10, $0x1;
	s10 =	sld [smem:$0x3FB4];
	_ =	sdelay $0x3  }
0x34: {  	[smem:$0x3FB4] =	sst s10  }
0x35: {  	s10 =	sld [smem:$0x3FB3];
	_ =	sdelay $0x3  }
0x36: {  	p1 =	seq.s32 s10, $0x1;
	s10 =	sld [smem:$0x3FB4];
	_ =	sdelay $0x3  }
0x37: {  	[smem:$0x3FB4] =	sst s10  }
0x38: {  	s10 =	sld [smem:$0x3FB5]  }
0x39: {  	_ = 	snop;
	(pc) =	sbr.ind lr, $3  }
0x3a: {  	_ = 	snop  }
0x3b: {  	_ = 	snop  }
0x3c: {  	p2 =	seq.s32 s10, $0x1;
	s10 =	sld [smem:$0x3FB4]  }
0x3d: {  	_ =	shalt  }
0x3e: {  	_ =	shalt  }
0x3f: {  	_ =	shalt  }
0x40: {  	_ =	shalt  }
0x41: {  	_ =	shalt  }
0x42: {  	_ =	shalt  }
0x43: {  	_ =	shalt  }
0x44: {  	_ =	shalt  }
0x45: {  	_ =	shalt  }
0x46: {  	_ =	shalt  }
0x47: {  	_ =	shalt  }
0x48: {  	_ =	shalt  }
0x49: {  	_ =	shalt  }
0x4a: {  	_ =	shalt  }
0x4b: {  	_ =	shalt  }
0x4c: {  	_ =	shalt  }
0x4d: {  	_ =	shalt  }
0x4e: {  	_ =	shalt  }
0x4f: {  	_ =	shalt  }
0x50: {  	_ =	shalt  }
0x51: {  	_ =	shalt  }
0x52: {  	_ =	shalt  }
0x53: {  	_ =	shalt  }
0x54: {  	_ =	shalt  }
0x55: {  	_ =	shalt  }
0x56: {  	_ =	shalt  }
0x57: {  	_ =	shalt  }
0x58: {  	_ =	shalt  }
0x59: {  	_ =	shalt  }
0x5a: {  	_ =	shalt  }
0x5b: {  	_ =	shalt  }
0x5c: {  	_ =	shalt  }
0x5d: {  	_ =	shalt  }
0x5e: {  	_ =	shalt  }
0x5f: {  	_ =	shalt  }
0x60: {  	_ =	shalt  }
0x61: {  	_ =	shalt  }
0x62: {  	_ =	shalt  }
0x63: {  	_ =	shalt  }
0x64: {  	_ =	shalt  }
0x65: {  	_ =	shalt  }
0x66: {  	_ =	shalt  }
0x67: {  	_ =	shalt  }
0x68: {  	_ =	shalt  }
0x69: {  	_ =	shalt  }
0x6a: {  	_ =	shalt  }
0x6b: {  	_ =	shalt  }
0x6c: {  	_ =	shalt  }
0x6d: {  	_ =	shalt  }
0x6e: {  	_ =	shalt  }
0x6f: {  	_ =	shalt  }
0x70: {  	_ =	shalt  }
0x71: {  	_ =	shalt  }
0x72: {  	_ =	shalt  }
0x73: {  	_ =	shalt  }
0x74: {  	_ =	shalt  }
0x75: {  	_ =	shalt  }
0x76: {  	_ =	shalt  }
0x77: {  	_ =	shalt  }
0x78: {  	_ =	shalt  }
0x79: {  	_ =	shalt  }
0x7a: {  	_ =	shalt  }
0x7b: {  	_ =	shalt  }
0x7c: {  	_ =	shalt  }
0x7d: {  	_ =	shalt  }
0x7e: {  	_ =	shalt  }
0x7f: {  	_ =	shalt  }
0x80: {  	_ =	shalt  }
0x81: {  	_ =	shalt  }
0x82: {  	_ =	shalt  }
0x83: {  	_ =	shalt  }
0x84: {  	_ =	shalt  }
0x85: {  	_ =	shalt  }
0x86: {  	_ =	shalt  }
0x87: {  	_ =	shalt  }
.Lfunc_end0:
.L_simem_size_0:
called_computation.1_lowered:
.L_overlay_start_0:
0x88: {  	s2 =	sld [smem:$0x3FD9]  }
0x89: {  	s3 =	sld [smem:$0x3FFE];
	_ =	sdelay $0x1  }
0x8a: {  	s1 =	srdreg.scid  }
0x8b: {  	s0 =	sand.u32 $0x1, s1  }
0x8c: {  	s17 =	sshll.u32 s0, $0xA;
	s2 =	sadd.s32 s3, s2  }
0x8d: {  	s2 =	sadd.s32 s2, s17  }
0x8e: {  	[smem:$0x3FC0] =	sst s2  }
0x8f: {  	_ = 	snop  }
0x90: {  	s2 =	sld [smem:$0x3FD0];
	(tm) =	ssettm $0x1  }
0x91: {  	s18 =	sld [smem:$0x3FFB];
	_ =	sdelay $0x3  }
0x92: {  	_ =	strace s18  }
0x93: {  	s3 =	sld [smem:$0x3FFC];
	_ =	sdelay $0x3  }
0x94: {  	_ =	strace s3  }
0x95: {  	s3 =	sld [smem:$0x3FFD];
	_ =	sdelay $0x3  }
0x96: {  	_ =	strace s3  }
0x97: {  	_ =	strace $0x8FFFFFFF  }
0x98: {  	s19 =	sld [smem:$0x3FDB];
	_ =	sdelay $0x1  }
0x99: {  	s4 =	simm.s32 $_scs_section_size  }
0x9a: {  	s5 =	simm.s32 $_size__tile_overlayer_lowered;
	s6 =	simm.s32 $_tile_overlayer_lowered  }
0x9b: {  	s22 =	simm.s32 $0x1BFF;
	s21 =	sshll.u32 s6, $0x1;
	s3 =	sadd.s32 s4, s19  }
0x9c: {  	s7 =	simm.s32 $0x0;
	s20 =	sshll.u32 s5, $0x1;
	s5 =	sadd.s32 s21, s3  }
0x9d: {  	[timem:s7], [sflag:s22] =	dma.local [hbm:s5], s20  }
0x9e: {  	_ =	swait.ge [sflag:s22], s20  }
0x9f: {  	s4 =	ssub.s32 $0x0, s20;
	[sflag:s22] =	ssyncset.done $0x0  }
0xa0: {  	[sflag:s22] =	ssyncadd.s32 s4;
	_ =	sdelay $0x1  }
0xa1: {  	s23 =	simm.s32 $0x1B8B  }
0xa2: {  	_ =	swait.ge [sflag:s23], $0x1  }
0xa3: {  	[sflag:s23] =	ssyncset.done $0x0  }
0xa4: {  	s25 =	simm.s32 $0x1B8E;
	s24 =	sld [smem:$0x3FFE];
	[sflag:s23] =	ssyncadd.s32 $0xFFFFFFFF  }
0xa5: {  	s26 =	simm.s32 $execute0_lowered;
	[smem:$0x3FD2] =	sst s25  }
0xa6: {  	s5 =	sshll.u32 s26, $0x1;
	_ =	strace $0x80000049;
	[dreg:$0x1] =	wrdreg $0xFFFFFFFF  }
0xa7: {  	s28 =	simm.s32 $_size_execute0_lowered;
	s3 =	sadd.s32 s3, s5;
	[dreg:$0x0] =	wrdreg $0x0  }
0xa8: {  	s5 =	sshll.u32 s28, $0x1;
	[dreg:$0x2] =	wrdreg s3  }
0xa9: {  	[dreg:$0x3] =	wrdreg s5  }
0xaa: {  	[dreg:$0x4] =	wrdreg $0xC0  }
0xab: {  	_ =	task [dreg:s7], $0x5FFFF  }
0xac: {  	[dreg:$0x1] =	wrdreg $0xFFFFFFFF  }
0xad: {  	[dreg:$0x0] =	wrdreg $0x60  }
0xae: {  	[dreg:$0x2] =	wrdreg s24  }
0xaf: {  	[dreg:$0x3] =	wrdreg s2  }
0xb0: {  	[dreg:$0x4] =	wrdreg $0x28A00  }
0xb1: {  	[dreg:$0x5] =	wrdreg $0x9  }
0xb2: {  	_ =	task.clear_ibuf [dreg:s7], $0x6FFFF;
	_ =	strace $0x90000049  }
0xb3: {  	s29 =	simm.s32 $0x9;
	_ =	strace $0x8000004B  }
0xb4: {  	_ =	swait.ge [sflag:s29], $0x1  }
0xb5: {  	[sflag:s29] =	ssyncadd.s32 $0xFFFFFFFF  }
0xb6: {  	_ =	strace $0x9000004B  }
0xb7: {  	_ =	sfence  }
0xb8: {  	s30 =	sld [smem:$0x0];
	_ =	sdelay $0x2  }
0xb9: {  	s31 =	sshll.u32 s1, $0xD;
	s1 =	sshrl.u32 s1, $0x2  }
0xba: {  	s3 =	sand.u32 $0x4000, s31;
	s1 =	sadd.s32 s1, s30  }
0xbb: {  	s0 =	sor.u32 s3, s0;
	s1 =	sshll.u32 s1, $0x11  }
0xbc: {  	s0 =	sor.u32 s1, s0  }
0xbd: {  	s0 =	sadd.s32 $0x8F2B, s0  }
0xbe: {  	[sflag:s0] =	ssyncadd.remote.s32 $0x1  }
0xbf: {  	_ =	sfence.sel $0xFFFF  }
0xc0: {  	[dreg:$0x0] =	wrdreg $0xFFFFFFFF;
	(pc) =	sbr.abs _section_cstart, $3  }
0xc1: {  	[dreg:$0x1] =	wrdreg $0xFFFFFFFF  }
0xc2: {  	_ =	task.clear_ibuf [dreg:s7], $0x2FFFF;
	_ =	strace $0x9FFFFFFF  }
0xc3: {  	(tm) =	ssettm $0x7FFFFFFF  }
tec
execute0_lowered:
.L_overlay_start_1:
0x0: {  	(tag) =	ssettag $0x1  }
0x1: {  	s5 =	rddreg [dreg:$0x0]  }
0x2: {  	s1 =	srdreg.scid;
	s9 =	rddreg [dreg:$0x1]  }
0x3: {  	s0 =	stileid.u32;
	s2 =	rddreg [dreg:$0x2]  }
0x4: {  	s3 =	simm.s32 $0x0;
	s15 =	simm.s32 $0x1;
	s4 =	smul.u32 $0x4E20, s0  }
0x5: {  	s6 =	sand.u32 $0x1, s1;
	s1 =	rddreg [dreg:$0x3];
	s8 =	smul.u32 $0x1F400, s0  }
0x6: {  	s16 =	simm.s32 $0x0;
	[smem:$0x7FF] =	sst s3;
	s7 =	smul.u32 $0x2710, s6  }
0x7: {  	p0 =	sgt.u32 s0, $0x9;
	s10 =	smul.u32 $0x138800, s6;
	s6 =	ssub.s32 $0x2, s6  }
0x8: {  	_ =	strace $0x8000004A;
	s31 =	sshrl.u32 s8, $0x3;
	s13 =	sshrl.u32 s6, $0x1  }
0x9: {  	s14 =	sadd.s32 s8, s2;
	s7 =	sadd.s32 s7, s4;
	s4 =	sadd.s32 $0x5A600, s5  }
0xa: {  	s30 =	sadd.s32 s8, s10;
	s10 =	sadd.s32 s31, s5;
	s11 =	sshrl.u32 s7, $0x3  }
0xb: {  	s13 =	ssub.s32 s6, s13;
	s7 =	sshrl.u32 s30, $0x3;
	s12 =	sadd.s32 s11, s5  }
0xc: {  	s7 =	sadd.s32 s7, s5;
	s5 =	sadd.s32 $0x81800, s10;
	s10 =	sshll.u32 @!p0 s0, $0x6  }
0xd: {  	s9 =	sadd.s32 s11, s9;
	s11 =	sshrl.u32 @!p0 s14, $0x3;
	s14 =	simm.s32 $0xA0  }
0xe: {  	s6 =	sadd.s32 $0xA8A00, s7;
	s7 =	smax.u32 s13, $0x1;
	s8 =	sadd.s32 $0x2600, s12  }
0xf: {  	s10 =	sor.u32 @!p0 $0x1C02, s10;
	s12 =	simm.s32 $0x2;
	s13 =	simm.s32 $0x50  }
.LBB2_1:
0x10: {  	[spmem:s11], [sflag:s10] =	dma.local @!p0 [hbm:s5], $0x3E80  }
0x11: {  	s17 =	simm.s32 @!p0 $0x2  }
0x12: {  	_ =	swait.ge @!p0 [sflag:s17], $0x3E80  }
0x13: {  	[sflag:s17] =	ssyncset.done @!p0 $0x0  }
0x14: {  	[sflag:s17] =	ssyncadd.s32 @!p0 $0xFFFFC180  }
0x15: {  	s30 =	sadd.s32 $0x0, s9;
	[bflag:$0x0] =	sbarrier.arrive $0xFFFF  }
0x16: {  	[tilespmem:s3], [sflag:$0x2] =	stream.linear.gather [hbm4b:s30+s3], $0x50, $0x38;
	[tilespmem:$0x16120] =	vst v63  }
0x17: {  	_ =	swait.ge [sflag:s12], $0x50  }
0x18: {  	[sflag:s12] =	ssyncset.done $0x0  }
0x19: {  	s31 =	sadd.s32 $0x0, s8;
	[sflag:s12] =	ssyncadd.s32 $0xFFFFFFB0  }
0x1a: {  	[tilespmem:s13], [sflag:$0x2] =	stream.linear.gather [hbm4b:s31+s3], $0x50, $0x38;
	[tilespmem:$0x16120] =	vst v63  }
0x1b: {  	_ =	swait.ge [sflag:s12], $0x50  }
0x1c: {  	[sflag:s12] =	ssyncset.done $0x0  }
0x1d: {  	[sflag:s12] =	ssyncadd.s32 $0xFFFFFFB0  }
0x1e: {  	[tilespmem:s14], [sflag:$0x1] =	stream.indirect.gather [hbm4b:s4+s13], $0x80, s3, s13, $0xb8;
	[tilespmem:$0x16120] =	vst v63  }
0x1f: {  	_ =	swait.ge [sflag:s15], $0x2800  }
0x20: {  	[sflag:s15] =	ssyncset.done $0x0  }
0x21: {  	[sflag:s15] =	ssyncadd.s32 $0xFFFFD800  }
0x22: {  	[spmem:s2] =	stream.indirect.scatter.add.f32 [tilespmem:s14], [sflag:$0x2], $0x80, s13, s13, $0xb8;
	[tilespmem:$0x16120] =	vst v63  }
0x23: {  	_ =	swait.ge [sflag:s12], $0x2800  }
0x24: {  	s18 =	simm.s32 $0x14;
	s17 =	simm.s32 $0xA;
	[sflag:s12] =	ssyncset.done $0x0  }
.LBB2_2:
0x25: {  	s19 =	sadd.s32 s17, s9  }
0x26: {  	[sflag:s12] =	ssyncadd.s32 $0xFFFFD800;
	s20 =	smov.u32 s18;
	s21 =	sadd.s32 $0xA, s18  }
0x27: {  	[tilespmem:s3], [sflag:$0x2] =	stream.linear.gather [hbm4b:s19+s3], $0x50, $0x38;
	[tilespmem:$0x16120] =	vst v63  }
0x28: {  	p1 =	sne.s32 s18, $0x4D8;
	_ =	swait.ge [sflag:s12], $0x50  }
0x29: {  	[sflag:s12] =	ssyncset.done $0x0  }
0x2a: {  	s18 =	sadd.s32 s17, s8;
	s17 =	smov.u32 s20;
	[sflag:s12] =	ssyncadd.s32 $0xFFFFFFB0  }
0x2b: {  	[tilespmem:s13], [sflag:$0x2] =	stream.linear.gather [hbm4b:s18+s3], $0x50, $0x38;
	[tilespmem:$0x16120] =	vst v63  }
0x2c: {  	_ =	swait.ge [sflag:s12], $0x50  }
0x2d: {  	[sflag:s12] =	ssyncset.done $0x0  }
0x2e: {  	[sflag:s12] =	ssyncadd.s32 $0xFFFFFFB0  }
0x2f: {  	[tilespmem:s14], [sflag:$0x1] =	stream.indirect.gather [hbm4b:s4+s13], $0x80, s3, s13, $0xb8;
	[tilespmem:$0x16120] =	vst v63  }
0x30: {  	_ =	swait.ge [sflag:s15], $0x2800  }
.Ltmp0:
0x31: {  	[sflag:s15] =	ssyncset.done $0x0;
	(pc) =	sbr.rel @p1 .LBB2_2-.Ltmp0, $4  }
0x32: {  	[sflag:s15] =	ssyncadd.s32 $0xFFFFD800  }
0x33: {  	[spmem:s2] =	stream.indirect.scatter.add.f32 [tilespmem:s14], [sflag:$0x2], $0x80, s13, s13, $0xb8;
	[tilespmem:$0x16120] =	vst v63  }
0x34: {  	_ =	swait.ge [sflag:s12], $0x2800  }
0x35: {  	s18 =	smov.u32 s21;
	[sflag:s12] =	ssyncset.done $0x0  }
0x36: {  	s18 =	sadd.s32 s17, s9;
	[sflag:s12] =	ssyncadd.s32 $0xFFFFD800  }
0x37: {  	[tilespmem:s3], [sflag:$0x2] =	stream.linear.gather [hbm4b:s18+s3], $0x50, $0x38;
	[tilespmem:$0x16120] =	vst v63  }
0x38: {  	_ =	swait.ge [sflag:s12], $0x50  }
0x39: {  	[sflag:s12] =	ssyncset.done $0x0  }
0x3a: {  	s31 =	sadd.s32 s17, s8;
	[sflag:s12] =	ssyncadd.s32 $0xFFFFFFB0  }
0x3b: {  	[tilespmem:s13], [sflag:$0x2] =	stream.linear.gather [hbm4b:s31+s3], $0x50, $0x38;
	[tilespmem:$0x16120] =	vst v63  }
0x3c: {  	_ =	swait.ge [sflag:s12], $0x50  }
0x3d: {  	[sflag:s12] =	ssyncset.done $0x0  }
0x3e: {  	[sflag:s12] =	ssyncadd.s32 $0xFFFFFFB0  }
0x3f: {  	[tilespmem:s14], [sflag:$0x1] =	stream.indirect.gather [hbm4b:s4+s13], $0x80, s3, s13, $0xb8;
	[tilespmem:$0x16120] =	vst v63  }
0x40: {  	_ =	swait.ge [sflag:s15], $0x2800  }
0x41: {  	[sflag:s15] =	ssyncset.done $0x0  }
0x42: {  	[sflag:s15] =	ssyncadd.s32 $0xFFFFD800  }
0x43: {  	[spmem:s2] =	stream.indirect.scatter.add.f32 [tilespmem:s14], [sflag:$0x2], $0x80, s13, s13, $0xb8;
	[tilespmem:$0x16120] =	vst v63  }
0x44: {  	_ =	swait.ge [sflag:s12], $0x2800  }
0x45: {  	s16 =	sadd.s32 $0x1, s16;
	[sflag:s12] =	ssyncset.done $0x0  }
0x46: {  	p1 =	sne.s32 s16, s7;
	[sflag:s12] =	ssyncadd.s32 $0xFFFFD800  }
.Ltmp1:
0x47: {  	s17 =	simm.s32 @!p0 $0x2;
	[bflag:$0x0] =	sbarrier.arrive $0xFFFF;
	(pc) =	sbr.rel @p1 .LBB2_1-.Ltmp1, $4  }
0x48: {  	[hbm:s6], [sflag:s10] =	dma.local @!p0 [spmem:s11], $0x3E80  }
0x49: {  	_ =	swait.ge @!p0 [sflag:s17], $0x3E80  }
0x4a: {  	[sflag:s17] =	ssyncset.done @!p0 $0x0  }
0x4b: {  	[sflag:s17] =	ssyncadd.s32 @!p0 $0xFFFFC180  }
0x4c: {  	_ =	sfence.sel $0x180000  }
0x4d: {  	[bflag:$0x0] =	sbarrier.arrive $0xFFFF  }
0x4e: {  	p0 =	sne.s32 s0, $0x0;
	_ =	strace $0x9000004A  }
0x4f: {  	s0 =	sadd.s32 @!p0 $0x100000, s1;
	[bflag:$0x2] =	sbarrier.arrive $0xFFFF  }
0x50: {  	[sflag:s0] =	ssyncadd.tile.s32 @!p0 $0x1;
	_ =	shalt  }
.Lfunc_end2:
_tile_overlayer_lowered:
.L_overlay_start_2:
0x51: {  	(tag) =	ssettag $0x2  }
0x52: {  	s0 =	rddreg [dreg:$0x0];
	s2 =	stileid.u32  }
0x53: {  	s1 =	rddreg [dreg:$0x1];
	p0 =	sne.s32 s2, $0x0  }
0x54: {  	s3 =	rddreg [dreg:$0x2];
	[bflag:$0x3] =	sbarrier.arrive $0xFFFF;
	s2 =	simm.s32 @!p0 $0x1C02  }
0x55: {  	[timem:s3], [sflag:s2] =	dma.local @!p0 [hbm:s0], s1  }
0x56: {  	s0 =	simm.s32 @!p0 $0x2  }
0x57: {  	_ =	swait.ge @!p0 [sflag:s0], s1  }
0x58: {  	s1 =	ssub.s32 @!p0 $0x0, s1;
	[sflag:s0] =	ssyncset.done @!p0 $0x0  }
0x59: {  	[sflag:s0] =	ssyncadd.s32 @!p0 s1  }
0x5a: {  	[bflag:$0x3] =	sbarrier.arrive $0xFFFF  }
0x5b: {  	_ =	shalt  }

// kernel: _impl.14.cloned.1.call-start
scs
__scs_entry_jumppad:
0x0: {  	(pc) =	sbr.rel $0x88, $3  }
0x1: {  	(tag) =	ssettag $0x0;
	lr =	simm.s32 $0x1  }
0x2: {  	[smem:$0x3F99] =	sst lr;
	_ =	strace $0xD0000000  }
0x3: {  	_ = 	snop  }
0x4: {  	_ = 	snop  }
0x5: {  	_ = 	snop  }
0x6: {  	_ = 	snop  }
0x7: {  	_ = 	snop  }
__scs_overlays_trampoline_lowered:
0x8: {  	[smem:$0x3FA8] =	sst s0  }
0x9: {  	[smem:$0x3FA9] =	sst s1  }
0xa: {  	[smem:$0x3FAA] =	sst s2  }
0xb: {  	[smem:$0x3FAB] =	sst s3  }
0xc: {  	[smem:$0x3FAC] =	sst s4  }
0xd: {  	[smem:$0x3FAD] =	sst s5  }
0xe: {  	[smem:$0x3FAE] =	sst s6  }
0xf: {  	[smem:$0x3FAF] =	sst s7  }
0x10: {  	[smem:$0x3FB0] =	sst s8  }
0x11: {  	[smem:$0x3FB1] =	sst s9;
	s0 =	simm.s32 @!p0 $0x0  }
0x12: {  	s1 =	sld [smem:$0x3F97];
	s0 =	simm.s32 @p0 $0x1  }
0x13: {  	[smem:$0x3FB2] =	sst s0;
	s0 =	simm.s32 @!p1 $0x0  }
0x14: {  	s2 =	sld [smem:$0x3F96];
	s0 =	simm.s32 @p1 $0x1  }
0x15: {  	[smem:$0x3FB3] =	sst s0;
	s0 =	simm.s32 @!p2 $0x0  }
0x16: {  	s3 =	sld [smem:$0x3FDB];
	s0 =	simm.s32 @p2 $0x1  }
0x17: {  	s4 =	simm.s32 $0x1BF5;
	[smem:$0x3FB5] =	sst s0  }
0x18: {  	s0 =	sld [smem:$0x3F98];
	_ =	swait.ge [sflag:s4], $0x0  }
0x19: {  	s7 =	sld [smem:$0x3F99]  }
0x1a: {  	s8 =	sadd.s32 $0xFFFFE003, lr  }
0x1b: {  	s9 =	sadd.s32 $0xFFFFFEF7, lr;
	s5 =	simm.s32 $0xFFFFFFFF;
	p2 =	slt.u32 s8, $0xFFFFF086  }
0x1c: {  	p1 =	slt.u32 s9, $0xF7A;
	s5 =	simm.s32 @!p2 $0x0  }
0x1d: {  	s5 =	simm.s32 @p1 $0x1;
	p0 =	seq.s32 s7, s2  }
0x1e: {  	s7 =	smul.u32 @!p0 $0xF7A, s2;
	p2 =	seq.s32 @!p0 s5, $0x0  }
0x1f: {  	s9 =	smul.u32 $0xF7A, s1;
	s8 =	simm.s32 @!p0 $0x1BF5;
	p2 =	por !p2, p0  }
0x20: {  	[sflag:s8] =	ssyncset.s32 @!p0 $0xFFFFF086;
	s6 =	sadd.s32 @!p0 s3, s7;
	s7 =	simm.s32 @!p0 $0x108  }
0x21: {  	s3 =	sadd.s32 s3, s9;
	s6 =	sadd.s32 @!p0 $0x88, s6;
	s7 =	simm.s32 @p2 $0x1082  }
0x22: {  	[simem:s7], [sflag:s8] =	dma.local @!p0 [hbm:s6], $0xF7A  }
0x23: {  	s9 =	sor.u32 $0xD0000000, s2;
	s6 =	simm.s32 $0x108;
	_ =	swait.ge @!p0 [sflag:s8], $0x0  }
0x24: {  	s3 =	sadd.s32 $0x88, s3;
	s6 =	simm.s32 @!p1 $0x1082;
	[sflag:s4] =	ssyncset.s32 $0xFFFFF086  }
0x25: {  	[simem:s6], [sflag:s4] =	dma.local [hbm:s3], $0xF7A  }
0x26: {  	[smem:$0x3F99] =	sst s1;
	(tag) =	ssettag s2;
	_ =	strace s9  }
0x27: {  	s1 =	sld [smem:$0x3FA9]  }
0x28: {  	s2 =	sld [smem:$0x3FAA]  }
0x29: {  	s4 =	sld [smem:$0x3FAC]  }
0x2a: {  	p0 =	seq.s32 s5, $0x0;
	s5 =	sld [smem:$0x3FAD]  }
0x2b: {  	s6 =	sld [smem:$0x3FAE]  }
0x2c: {  	s7 =	sld [smem:$0x3FAF]  }
0x2d: {  	s3 =	simm.s32 $0x108;
	s8 =	sld [smem:$0x3FB0]  }
0x2e: {  	s3 =	simm.s32 @!p0 $0x1082;
	s9 =	sld [smem:$0x3FB1]  }
0x2f: {  	lr =	sadd.s32 s0, s3;
	s0 =	sld [smem:$0x3FA8]  }
0x30: {  	s3 =	sld [smem:$0x3FAB]  }
0x31: {  	[smem:$0x3FB4] =	sst s10  }
0x32: {  	s10 =	sld [smem:$0x3FB2];
	_ =	sdelay $0x3  }
0x33: {  	p0 =	seq.s32 s10, $0x1;
	s10 =	sld [smem:$0x3FB4];
	_ =	sdelay $0x3  }
0x34: {  	[smem:$0x3FB4] =	sst s10  }
0x35: {  	s10 =	sld [smem:$0x3FB3];
	_ =	sdelay $0x3  }
0x36: {  	p1 =	seq.s32 s10, $0x1;
	s10 =	sld [smem:$0x3FB4];
	_ =	sdelay $0x3  }
0x37: {  	[smem:$0x3FB4] =	sst s10  }
0x38: {  	s10 =	sld [smem:$0x3FB5]  }
0x39: {  	_ = 	snop;
	(pc) =	sbr.ind lr, $3  }
0x3a: {  	_ = 	snop  }
0x3b: {  	_ = 	snop  }
0x3c: {  	p2 =	seq.s32 s10, $0x1;
	s10 =	sld [smem:$0x3FB4]  }
0x3d: {  	_ =	shalt  }
0x3e: {  	_ =	shalt  }
0x3f: {  	_ =	shalt  }
0x40: {  	_ =	shalt  }
0x41: {  	_ =	shalt  }
0x42: {  	_ =	shalt  }
0x43: {  	_ =	shalt  }
0x44: {  	_ =	shalt  }
0x45: {  	_ =	shalt  }
0x46: {  	_ =	shalt  }
0x47: {  	_ =	shalt  }
0x48: {  	_ =	shalt  }
0x49: {  	_ =	shalt  }
0x4a: {  	_ =	shalt  }
0x4b: {  	_ =	shalt  }
0x4c: {  	_ =	shalt  }
0x4d: {  	_ =	shalt  }
0x4e: {  	_ =	shalt  }
0x4f: {  	_ =	shalt  }
0x50: {  	_ =	shalt  }
0x51: {  	_ =	shalt  }
0x52: {  	_ =	shalt  }
0x53: {  	_ =	shalt  }
0x54: {  	_ =	shalt  }
0x55: {  	_ =	shalt  }
0x56: {  	_ =	shalt  }
0x57: {  	_ =	shalt  }
0x58: {  	_ =	shalt  }
0x59: {  	_ =	shalt  }
0x5a: {  	_ =	shalt  }
0x5b: {  	_ =	shalt  }
0x5c: {  	_ =	shalt  }
0x5d: {  	_ =	shalt  }
0x5e: {  	_ =	shalt  }
0x5f: {  	_ =	shalt  }
0x60: {  	_ =	shalt  }
0x61: {  	_ =	shalt  }
0x62: {  	_ =	shalt  }
0x63: {  	_ =	shalt  }
0x64: {  	_ =	shalt  }
0x65: {  	_ =	shalt  }
0x66: {  	_ =	shalt  }
0x67: {  	_ =	shalt  }
0x68: {  	_ =	shalt  }
0x69: {  	_ =	shalt  }
0x6a: {  	_ =	shalt  }
0x6b: {  	_ =	shalt  }
0x6c: {  	_ =	shalt  }
0x6d: {  	_ =	shalt  }
0x6e: {  	_ =	shalt  }
0x6f: {  	_ =	shalt  }
0x70: {  	_ =	shalt  }
0x71: {  	_ =	shalt  }
0x72: {  	_ =	shalt  }
0x73: {  	_ =	shalt  }
0x74: {  	_ =	shalt  }
0x75: {  	_ =	shalt  }
0x76: {  	_ =	shalt  }
0x77: {  	_ =	shalt  }
0x78: {  	_ =	shalt  }
0x79: {  	_ =	shalt  }
0x7a: {  	_ =	shalt  }
0x7b: {  	_ =	shalt  }
0x7c: {  	_ =	shalt  }
0x7d: {  	_ =	shalt  }
0x7e: {  	_ =	shalt  }
0x7f: {  	_ =	shalt  }
0x80: {  	_ =	shalt  }
0x81: {  	_ =	shalt  }
0x82: {  	_ =	shalt  }
0x83: {  	_ =	shalt  }
0x84: {  	_ =	shalt  }
0x85: {  	_ =	shalt  }
0x86: {  	_ =	shalt  }
0x87: {  	_ =	shalt  }
.Lfunc_end0:
.L_simem_size_0:
called_computation.2_lowered:
.L_overlay_start_0:
0x88: {  	s2 =	sld [smem:$0x3FD9]  }
0x89: {  	s3 =	sld [smem:$0x3FFE];
	_ =	sdelay $0x1  }
0x8a: {  	s1 =	srdreg.scid  }
0x8b: {  	s0 =	sand.u32 $0x1, s1  }
0x8c: {  	s17 =	sshll.u32 s0, $0xA;
	s2 =	sadd.s32 s3, s2  }
0x8d: {  	s2 =	sadd.s32 s2, s17  }
0x8e: {  	[smem:$0x3FC0] =	sst s2  }
0x8f: {  	_ = 	snop  }
0x90: {  	s2 =	sld [smem:$0x3FD0];
	(tm) =	ssettm $0x1  }
0x91: {  	s18 =	sld [smem:$0x3FFB];
	_ =	sdelay $0x3  }
0x92: {  	_ =	strace s18  }
0x93: {  	s3 =	sld [smem:$0x3FFC];
	_ =	sdelay $0x3  }
0x94: {  	_ =	strace s3  }
0x95: {  	s3 =	sld [smem:$0x3FFD];
	_ =	sdelay $0x3  }
0x96: {  	_ =	strace s3  }
0x97: {  	_ =	strace $0x8FFFFFFF  }
0x98: {  	s19 =	sld [smem:$0x3FDB];
	_ =	sdelay $0x1  }
0x99: {  	s4 =	simm.s32 $_scs_section_size  }
0x9a: {  	s5 =	simm.s32 $_size__tile_overlayer_lowered;
	s6 =	simm.s32 $_tile_overlayer_lowered  }
0x9b: {  	s22 =	simm.s32 $0x1BFF;
	s21 =	sshll.u32 s6, $0x1;
	s3 =	sadd.s32 s4, s19  }
0x9c: {  	s7 =	simm.s32 $0x0;
	s20 =	sshll.u32 s5, $0x1;
	s5 =	sadd.s32 s21, s3  }
0x9d: {  	[timem:s7], [sflag:s22] =	dma.local [hbm:s5], s20  }
0x9e: {  	_ =	swait.ge [sflag:s22], s20  }
0x9f: {  	s4 =	ssub.s32 $0x0, s20;
	[sflag:s22] =	ssyncset.done $0x0  }
0xa0: {  	[sflag:s22] =	ssyncadd.s32 s4;
	_ =	sdelay $0x1  }
0xa1: {  	s23 =	simm.s32 $0x1B8B  }
0xa2: {  	_ =	swait.ge [sflag:s23], $0x1  }
0xa3: {  	[sflag:s23] =	ssyncset.done $0x0  }
0xa4: {  	s25 =	simm.s32 $0x1B8E;
	s24 =	sld [smem:$0x3FFE];
	[sflag:s23] =	ssyncadd.s32 $0xFFFFFFFF  }
0xa5: {  	s26 =	simm.s32 $execute0_lowered;
	[smem:$0x3FD2] =	sst s25  }
0xa6: {  	s5 =	sshll.u32 s26, $0x1;
	_ =	strace $0x8000004C;
	[dreg:$0x1] =	wrdreg $0xFFFFFFFF  }
0xa7: {  	s28 =	simm.s32 $_size_execute0_lowered;
	s3 =	sadd.s32 s3, s5;
	[dreg:$0x0] =	wrdreg $0x0  }
0xa8: {  	s5 =	sshll.u32 s28, $0x1;
	[dreg:$0x2] =	wrdreg s3  }
0xa9: {  	[dreg:$0x3] =	wrdreg s5  }
0xaa: {  	[dreg:$0x4] =	wrdreg $0xC0  }
0xab: {  	_ =	task [dreg:s7], $0x5FFFF  }
0xac: {  	[dreg:$0x1] =	wrdreg $0xFFFFFFFF  }
0xad: {  	[dreg:$0x0] =	wrdreg $0x60  }
0xae: {  	[dreg:$0x2] =	wrdreg s24  }
0xaf: {  	[dreg:$0x3] =	wrdreg s2  }
0xb0: {  	[dreg:$0x4] =	wrdreg $0x14A00  }
0xb1: {  	[dreg:$0x5] =	wrdreg $0x9  }
0xb2: {  	_ =	task.clear_ibuf [dreg:s7], $0x6FFFF;
	_ =	strace $0x9000004C  }
0xb3: {  	s29 =	simm.s32 $0x9;
	_ =	strace $0x8000004E  }
0xb4: {  	_ =	swait.ge [sflag:s29], $0x1  }
0xb5: {  	[sflag:s29] =	ssyncadd.s32 $0xFFFFFFFF  }
0xb6: {  	_ =	strace $0x9000004E  }
0xb7: {  	_ =	sfence  }
0xb8: {  	s30 =	sld [smem:$0x0];
	_ =	sdelay $0x2  }
0xb9: {  	s31 =	sshll.u32 s1, $0xD;
	s1 =	sshrl.u32 s1, $0x2  }
0xba: {  	s3 =	sand.u32 $0x4000, s31;
	s1 =	sadd.s32 s1, s30  }
0xbb: {  	s0 =	sor.u32 s3, s0;
	s1 =	sshll.u32 s1, $0x11  }
0xbc: {  	s0 =	sor.u32 s1, s0  }
0xbd: {  	s0 =	sadd.s32 $0x8F2B, s0  }
0xbe: {  	[sflag:s0] =	ssyncadd.remote.s32 $0x1  }
0xbf: {  	_ =	sfence.sel $0xFFFF  }
0xc0: {  	[dreg:$0x0] =	wrdreg $0xFFFFFFFF;
	(pc) =	sbr.abs _section_cstart, $3  }
0xc1: {  	[dreg:$0x1] =	wrdreg $0xFFFFFFFF  }
0xc2: {  	_ =	task.clear_ibuf [dreg:s7], $0x2FFFF;
	_ =	strace $0x9FFFFFFF  }
0xc3: {  	(tm) =	ssettm $0x7FFFFFFF  }
tec
execute0_lowered:
.L_overlay_start_1:
0x0: {  	(tag) =	ssettag $0x1  }
0x1: {  	s5 =	rddreg [dreg:$0x0]  }
0x2: {  	s1 =	srdreg.scid;
	s9 =	rddreg [dreg:$0x1]  }
0x3: {  	s0 =	stileid.u32;
	s2 =	rddreg [dreg:$0x2]  }
0x4: {  	s3 =	simm.s32 $0x0;
	s15 =	simm.s32 $0x1;
	s4 =	smul.u32 $0x4E20, s0  }
0x5: {  	s6 =	sand.u32 $0x1, s1;
	s1 =	rddreg [dreg:$0x3];
	s8 =	smul.u32 $0xFA00, s0  }
0x6: {  	s16 =	simm.s32 $0x0;
	[smem:$0x7FF] =	sst s3;
	s7 =	smul.u32 $0x2710, s6  }
0x7: {  	p0 =	sgt.u32 s0, $0x9;
	s10 =	smul.u32 $0x9C400, s6;
	s6 =	ssub.s32 $0x2, s6  }
0x8: {  	_ =	strace $0x8000004D;
	s31 =	sshrl.u32 s8, $0x3;
	s13 =	sshrl.u32 s6, $0x1  }
0x9: {  	s14 =	sadd.s32 s8, s2;
	s7 =	sadd.s32 s7, s4;
	s4 =	sadd.s32 $0x5A600, s5  }
0xa: {  	s30 =	sadd.s32 s8, s10;
	s10 =	sadd.s32 s31, s5;
	s11 =	sshrl.u32 s7, $0x3  }
0xb: {  	s13 =	ssub.s32 s6, s13;
	s7 =	sshrl.u32 s30, $0x3;
	s12 =	sadd.s32 s11, s5  }
0xc: {  	s7 =	sadd.s32 s7, s5;
	s5 =	sadd.s32 $0x6E000, s10;
	s10 =	sshll.u32 @!p0 s0, $0x6  }
0xd: {  	s9 =	sadd.s32 s11, s9;
	s11 =	sshrl.u32 @!p0 s14, $0x3;
	s14 =	simm.s32 $0xA0  }
0xe: {  	s6 =	sadd.s32 $0x81A00, s7;
	s7 =	smax.u32 s13, $0x1;
	s8 =	sadd.s32 $0x2600, s12  }
0xf: {  	s10 =	sor.u32 @!p0 $0x1C02, s10;
	s12 =	simm.s32 $0x2;
	s13 =	simm.s32 $0x50  }
.LBB2_1:
0x10: {  	[spmem:s11], [sflag:s10] =	dma.local @!p0 [hbm:s5], $0x1F40  }
0x11: {  	s17 =	simm.s32 @!p0 $0x2  }
0x12: {  	_ =	swait.ge @!p0 [sflag:s17], $0x1F40  }
0x13: {  	[sflag:s17] =	ssyncset.done @!p0 $0x0  }
0x14: {  	[sflag:s17] =	ssyncadd.s32 @!p0 $0xFFFFE0C0  }
0x15: {  	s30 =	sadd.s32 $0x0, s9;
	[bflag:$0x0] =	sbarrier.arrive $0xFFFF  }
0x16: {  	[tilespmem:s3], [sflag:$0x2] =	stream.linear.gather [hbm4b:s30+s3], $0x50, $0x38;
	[tilespmem:$0xB0E0] =	vst v63  }
0x17: {  	_ =	swait.ge [sflag:s12], $0x50  }
0x18: {  	[sflag:s12] =	ssyncset.done $0x0  }
0x19: {  	s31 =	sadd.s32 $0x0, s8;
	[sflag:s12] =	ssyncadd.s32 $0xFFFFFFB0  }
0x1a: {  	[tilespmem:s13], [sflag:$0x2] =	stream.linear.gather [hbm4b:s31+s3], $0x50, $0x38;
	[tilespmem:$0xB0E0] =	vst v63  }
0x1b: {  	_ =	swait.ge [sflag:s12], $0x50  }
0x1c: {  	[sflag:s12] =	ssyncset.done $0x0  }
0x1d: {  	[sflag:s12] =	ssyncadd.s32 $0xFFFFFFB0  }
0x1e: {  	[tilespmem:s14], [sflag:$0x1] =	stream.indirect.gather [hbm4b:s4+s13], $0x40, s3, s13, $0xb8;
	[tilespmem:$0xB0E0] =	vst v63  }
0x1f: {  	_ =	swait.ge [sflag:s15], $0x1400  }
0x20: {  	[sflag:s15] =	ssyncset.done $0x0  }
0x21: {  	[sflag:s15] =	ssyncadd.s32 $0xFFFFEC00  }
0x22: {  	[spmem:s2] =	stream.indirect.scatter.add.f32 [tilespmem:s14], [sflag:$0x2], $0x40, s13, s13, $0xb8;
	[tilespmem:$0xB0E0] =	vst v63  }
0x23: {  	_ =	swait.ge [sflag:s12], $0x1400  }
0x24: {  	s18 =	simm.s32 $0x14;
	s17 =	simm.s32 $0xA;
	[sflag:s12] =	ssyncset.done $0x0  }
.LBB2_2:
0x25: {  	s19 =	sadd.s32 s17, s9  }
0x26: {  	[sflag:s12] =	ssyncadd.s32 $0xFFFFEC00;
	s20 =	smov.u32 s18;
	s21 =	sadd.s32 $0xA, s18  }
0x27: {  	[tilespmem:s3], [sflag:$0x2] =	stream.linear.gather [hbm4b:s19+s3], $0x50, $0x38;
	[tilespmem:$0xB0E0] =	vst v63  }
0x28: {  	p1 =	sne.s32 s18, $0x4D8;
	_ =	swait.ge [sflag:s12], $0x50  }
0x29: {  	[sflag:s12] =	ssyncset.done $0x0  }
0x2a: {  	s18 =	sadd.s32 s17, s8;
	s17 =	smov.u32 s20;
	[sflag:s12] =	ssyncadd.s32 $0xFFFFFFB0  }
0x2b: {  	[tilespmem:s13], [sflag:$0x2] =	stream.linear.gather [hbm4b:s18+s3], $0x50, $0x38;
	[tilespmem:$0xB0E0] =	vst v63  }
0x2c: {  	_ =	swait.ge [sflag:s12], $0x50  }
0x2d: {  	[sflag:s12] =	ssyncset.done $0x0  }
0x2e: {  	[sflag:s12] =	ssyncadd.s32 $0xFFFFFFB0  }
0x2f: {  	[tilespmem:s14], [sflag:$0x1] =	stream.indirect.gather [hbm4b:s4+s13], $0x40, s3, s13, $0xb8;
	[tilespmem:$0xB0E0] =	vst v63  }
0x30: {  	_ =	swait.ge [sflag:s15], $0x1400  }
.Ltmp0:
0x31: {  	[sflag:s15] =	ssyncset.done $0x0;
	(pc) =	sbr.rel @p1 .LBB2_2-.Ltmp0, $4  }
0x32: {  	[sflag:s15] =	ssyncadd.s32 $0xFFFFEC00  }
0x33: {  	[spmem:s2] =	stream.indirect.scatter.add.f32 [tilespmem:s14], [sflag:$0x2], $0x40, s13, s13, $0xb8;
	[tilespmem:$0xB0E0] =	vst v63  }
0x34: {  	_ =	swait.ge [sflag:s12], $0x1400  }
0x35: {  	s18 =	smov.u32 s21;
	[sflag:s12] =	ssyncset.done $0x0  }
0x36: {  	s18 =	sadd.s32 s17, s9;
	[sflag:s12] =	ssyncadd.s32 $0xFFFFEC00  }
0x37: {  	[tilespmem:s3], [sflag:$0x2] =	stream.linear.gather [hbm4b:s18+s3], $0x50, $0x38;
	[tilespmem:$0xB0E0] =	vst v63  }
0x38: {  	_ =	swait.ge [sflag:s12], $0x50  }
0x39: {  	[sflag:s12] =	ssyncset.done $0x0  }
0x3a: {  	s31 =	sadd.s32 s17, s8;
	[sflag:s12] =	ssyncadd.s32 $0xFFFFFFB0  }
0x3b: {  	[tilespmem:s13], [sflag:$0x2] =	stream.linear.gather [hbm4b:s31+s3], $0x50, $0x38;
	[tilespmem:$0xB0E0] =	vst v63  }
0x3c: {  	_ =	swait.ge [sflag:s12], $0x50  }
0x3d: {  	[sflag:s12] =	ssyncset.done $0x0  }
0x3e: {  	[sflag:s12] =	ssyncadd.s32 $0xFFFFFFB0  }
0x3f: {  	[tilespmem:s14], [sflag:$0x1] =	stream.indirect.gather [hbm4b:s4+s13], $0x40, s3, s13, $0xb8;
	[tilespmem:$0xB0E0] =	vst v63  }
0x40: {  	_ =	swait.ge [sflag:s15], $0x1400  }
0x41: {  	[sflag:s15] =	ssyncset.done $0x0  }
0x42: {  	[sflag:s15] =	ssyncadd.s32 $0xFFFFEC00  }
0x43: {  	[spmem:s2] =	stream.indirect.scatter.add.f32 [tilespmem:s14], [sflag:$0x2], $0x40, s13, s13, $0xb8;
	[tilespmem:$0xB0E0] =	vst v63  }
0x44: {  	_ =	swait.ge [sflag:s12], $0x1400  }
0x45: {  	s16 =	sadd.s32 $0x1, s16;
	[sflag:s12] =	ssyncset.done $0x0  }
0x46: {  	p1 =	sne.s32 s16, s7;
	[sflag:s12] =	ssyncadd.s32 $0xFFFFEC00  }
.Ltmp1:
0x47: {  	s17 =	simm.s32 @!p0 $0x2;
	[bflag:$0x0] =	sbarrier.arrive $0xFFFF;
	(pc) =	sbr.rel @p1 .LBB2_1-.Ltmp1, $4  }
0x48: {  	[hbm:s6], [sflag:s10] =	dma.local @!p0 [spmem:s11], $0x1F40  }
0x49: {  	_ =	swait.ge @!p0 [sflag:s17], $0x1F40  }
0x4a: {  	[sflag:s17] =	ssyncset.done @!p0 $0x0  }
0x4b: {  	[sflag:s17] =	ssyncadd.s32 @!p0 $0xFFFFE0C0  }
0x4c: {  	_ =	sfence.sel $0x180000  }
0x4d: {  	[bflag:$0x0] =	sbarrier.arrive $0xFFFF  }
0x4e: {  	p0 =	sne.s32 s0, $0x0;
	_ =	strace $0x9000004D  }
0x4f: {  	s0 =	sadd.s32 @!p0 $0x100000, s1;
	[bflag:$0x2] =	sbarrier.arrive $0xFFFF  }
0x50: {  	[sflag:s0] =	ssyncadd.tile.s32 @!p0 $0x1;
	_ =	shalt  }
.Lfunc_end2:
_tile_overlayer_lowered:
.L_overlay_start_2:
0x51: {  	(tag) =	ssettag $0x2  }
0x52: {  	s0 =	rddreg [dreg:$0x0];
	s2 =	stileid.u32  }
0x53: {  	s1 =	rddreg [dreg:$0x1];
	p0 =	sne.s32 s2, $0x0  }
0x54: {  	s3 =	rddreg [dreg:$0x2];
	[bflag:$0x3] =	sbarrier.arrive $0xFFFF;
	s2 =	simm.s32 @!p0 $0x1C02  }
0x55: {  	[timem:s3], [sflag:s2] =	dma.local @!p0 [hbm:s0], s1  }
0x56: {  	s0 =	simm.s32 @!p0 $0x2  }
0x57: {  	_ =	swait.ge @!p0 [sflag:s0], s1  }
0x58: {  	s1 =	ssub.s32 @!p0 $0x0, s1;
	[sflag:s0] =	ssyncset.done @!p0 $0x0  }
0x59: {  	[sflag:s0] =	ssyncadd.s32 @!p0 s1  }
0x5a: {  	[bflag:$0x3] =	sbarrier.arrive $0xFFFF  }
0x5b: {  	_ =	shalt  }

// kernel: _impl.8.cloned.1.call-start
scs
__scs_entry_jumppad:
0x0: {  	(pc) =	sbr.rel $0x88, $3  }
0x1: {  	(tag) =	ssettag $0x0;
	lr =	simm.s32 $0x1  }
0x2: {  	[smem:$0x3F99] =	sst lr;
	_ =	strace $0xD0000000  }
0x3: {  	_ = 	snop  }
0x4: {  	_ = 	snop  }
0x5: {  	_ = 	snop  }
0x6: {  	_ = 	snop  }
0x7: {  	_ = 	snop  }
__scs_overlays_trampoline_lowered:
0x8: {  	[smem:$0x3FA8] =	sst s0  }
0x9: {  	[smem:$0x3FA9] =	sst s1  }
0xa: {  	[smem:$0x3FAA] =	sst s2  }
0xb: {  	[smem:$0x3FAB] =	sst s3  }
0xc: {  	[smem:$0x3FAC] =	sst s4  }
0xd: {  	[smem:$0x3FAD] =	sst s5  }
0xe: {  	[smem:$0x3FAE] =	sst s6  }
0xf: {  	[smem:$0x3FAF] =	sst s7  }
0x10: {  	[smem:$0x3FB0] =	sst s8  }
0x11: {  	[smem:$0x3FB1] =	sst s9;
	s0 =	simm.s32 @!p0 $0x0  }
0x12: {  	s1 =	sld [smem:$0x3F97];
	s0 =	simm.s32 @p0 $0x1  }
0x13: {  	[smem:$0x3FB2] =	sst s0;
	s0 =	simm.s32 @!p1 $0x0  }
0x14: {  	s2 =	sld [smem:$0x3F96];
	s0 =	simm.s32 @p1 $0x1  }
0x15: {  	[smem:$0x3FB3] =	sst s0;
	s0 =	simm.s32 @!p2 $0x0  }
0x16: {  	s3 =	sld [smem:$0x3FDB];
	s0 =	simm.s32 @p2 $0x1  }
0x17: {  	s4 =	simm.s32 $0x1BF5;
	[smem:$0x3FB5] =	sst s0  }
0x18: {  	s0 =	sld [smem:$0x3F98];
	_ =	swait.ge [sflag:s4], $0x0  }
0x19: {  	s7 =	sld [smem:$0x3F99]  }
0x1a: {  	s8 =	sadd.s32 $0xFFFFE003, lr  }
0x1b: {  	s9 =	sadd.s32 $0xFFFFFEF7, lr;
	s5 =	simm.s32 $0xFFFFFFFF;
	p2 =	slt.u32 s8, $0xFFFFF086  }
0x1c: {  	p1 =	slt.u32 s9, $0xF7A;
	s5 =	simm.s32 @!p2 $0x0  }
0x1d: {  	s5 =	simm.s32 @p1 $0x1;
	p0 =	seq.s32 s7, s2  }
0x1e: {  	s7 =	smul.u32 @!p0 $0xF7A, s2;
	p2 =	seq.s32 @!p0 s5, $0x0  }
0x1f: {  	s9 =	smul.u32 $0xF7A, s1;
	s8 =	simm.s32 @!p0 $0x1BF5;
	p2 =	por !p2, p0  }
0x20: {  	[sflag:s8] =	ssyncset.s32 @!p0 $0xFFFFF086;
	s6 =	sadd.s32 @!p0 s3, s7;
	s7 =	simm.s32 @!p0 $0x108  }
0x21: {  	s3 =	sadd.s32 s3, s9;
	s6 =	sadd.s32 @!p0 $0x88, s6;
	s7 =	simm.s32 @p2 $0x1082  }
0x22: {  	[simem:s7], [sflag:s8] =	dma.local @!p0 [hbm:s6], $0xF7A  }
0x23: {  	s9 =	sor.u32 $0xD0000000, s2;
	s6 =	simm.s32 $0x108;
	_ =	swait.ge @!p0 [sflag:s8], $0x0  }
0x24: {  	s3 =	sadd.s32 $0x88, s3;
	s6 =	simm.s32 @!p1 $0x1082;
	[sflag:s4] =	ssyncset.s32 $0xFFFFF086  }
0x25: {  	[simem:s6], [sflag:s4] =	dma.local [hbm:s3], $0xF7A  }
0x26: {  	[smem:$0x3F99] =	sst s1;
	(tag) =	ssettag s2;
	_ =	strace s9  }
0x27: {  	s1 =	sld [smem:$0x3FA9]  }
0x28: {  	s2 =	sld [smem:$0x3FAA]  }
0x29: {  	s4 =	sld [smem:$0x3FAC]  }
0x2a: {  	p0 =	seq.s32 s5, $0x0;
	s5 =	sld [smem:$0x3FAD]  }
0x2b: {  	s6 =	sld [smem:$0x3FAE]  }
0x2c: {  	s7 =	sld [smem:$0x3FAF]  }
0x2d: {  	s3 =	simm.s32 $0x108;
	s8 =	sld [smem:$0x3FB0]  }
0x2e: {  	s3 =	simm.s32 @!p0 $0x1082;
	s9 =	sld [smem:$0x3FB1]  }
0x2f: {  	lr =	sadd.s32 s0, s3;
	s0 =	sld [smem:$0x3FA8]  }
0x30: {  	s3 =	sld [smem:$0x3FAB]  }
0x31: {  	[smem:$0x3FB4] =	sst s10  }
0x32: {  	s10 =	sld [smem:$0x3FB2];
	_ =	sdelay $0x3  }
0x33: {  	p0 =	seq.s32 s10, $0x1;
	s10 =	sld [smem:$0x3FB4];
	_ =	sdelay $0x3  }
0x34: {  	[smem:$0x3FB4] =	sst s10  }
0x35: {  	s10 =	sld [smem:$0x3FB3];
	_ =	sdelay $0x3  }
0x36: {  	p1 =	seq.s32 s10, $0x1;
	s10 =	sld [smem:$0x3FB4];
	_ =	sdelay $0x3  }
0x37: {  	[smem:$0x3FB4] =	sst s10  }
0x38: {  	s10 =	sld [smem:$0x3FB5]  }
0x39: {  	_ = 	snop;
	(pc) =	sbr.ind lr, $3  }
0x3a: {  	_ = 	snop  }
0x3b: {  	_ = 	snop  }
0x3c: {  	p2 =	seq.s32 s10, $0x1;
	s10 =	sld [smem:$0x3FB4]  }
0x3d: {  	_ =	shalt  }
0x3e: {  	_ =	shalt  }
0x3f: {  	_ =	shalt  }
0x40: {  	_ =	shalt  }
0x41: {  	_ =	shalt  }
0x42: {  	_ =	shalt  }
0x43: {  	_ =	shalt  }
0x44: {  	_ =	shalt  }
0x45: {  	_ =	shalt  }
0x46: {  	_ =	shalt  }
0x47: {  	_ =	shalt  }
0x48: {  	_ =	shalt  }
0x49: {  	_ =	shalt  }
0x4a: {  	_ =	shalt  }
0x4b: {  	_ =	shalt  }
0x4c: {  	_ =	shalt  }
0x4d: {  	_ =	shalt  }
0x4e: {  	_ =	shalt  }
0x4f: {  	_ =	shalt  }
0x50: {  	_ =	shalt  }
0x51: {  	_ =	shalt  }
0x52: {  	_ =	shalt  }
0x53: {  	_ =	shalt  }
0x54: {  	_ =	shalt  }
0x55: {  	_ =	shalt  }
0x56: {  	_ =	shalt  }
0x57: {  	_ =	shalt  }
0x58: {  	_ =	shalt  }
0x59: {  	_ =	shalt  }
0x5a: {  	_ =	shalt  }
0x5b: {  	_ =	shalt  }
0x5c: {  	_ =	shalt  }
0x5d: {  	_ =	shalt  }
0x5e: {  	_ =	shalt  }
0x5f: {  	_ =	shalt  }
0x60: {  	_ =	shalt  }
0x61: {  	_ =	shalt  }
0x62: {  	_ =	shalt  }
0x63: {  	_ =	shalt  }
0x64: {  	_ =	shalt  }
0x65: {  	_ =	shalt  }
0x66: {  	_ =	shalt  }
0x67: {  	_ =	shalt  }
0x68: {  	_ =	shalt  }
0x69: {  	_ =	shalt  }
0x6a: {  	_ =	shalt  }
0x6b: {  	_ =	shalt  }
0x6c: {  	_ =	shalt  }
0x6d: {  	_ =	shalt  }
0x6e: {  	_ =	shalt  }
0x6f: {  	_ =	shalt  }
0x70: {  	_ =	shalt  }
0x71: {  	_ =	shalt  }
0x72: {  	_ =	shalt  }
0x73: {  	_ =	shalt  }
0x74: {  	_ =	shalt  }
0x75: {  	_ =	shalt  }
0x76: {  	_ =	shalt  }
0x77: {  	_ =	shalt  }
0x78: {  	_ =	shalt  }
0x79: {  	_ =	shalt  }
0x7a: {  	_ =	shalt  }
0x7b: {  	_ =	shalt  }
0x7c: {  	_ =	shalt  }
0x7d: {  	_ =	shalt  }
0x7e: {  	_ =	shalt  }
0x7f: {  	_ =	shalt  }
0x80: {  	_ =	shalt  }
0x81: {  	_ =	shalt  }
0x82: {  	_ =	shalt  }
0x83: {  	_ =	shalt  }
0x84: {  	_ =	shalt  }
0x85: {  	_ =	shalt  }
0x86: {  	_ =	shalt  }
0x87: {  	_ =	shalt  }
.Lfunc_end0:
.L_simem_size_0:
called_computation_lowered:
.L_overlay_start_0:
0x88: {  	s2 =	sld [smem:$0x3FD9]  }
0x89: {  	s3 =	sld [smem:$0x3FFE];
	_ =	sdelay $0x1  }
0x8a: {  	s1 =	srdreg.scid  }
0x8b: {  	s0 =	sand.u32 $0x1, s1  }
0x8c: {  	s16 =	sshll.u32 s0, $0xA;
	s2 =	sadd.s32 s3, s2  }
0x8d: {  	s2 =	sadd.s32 s2, s16  }
0x8e: {  	[smem:$0x3FC0] =	sst s2  }
0x8f: {  	_ = 	snop  }
0x90: {  	(tm) =	ssettm $0x1  }
0x91: {  	s17 =	sld [smem:$0x3FFB];
	_ =	sdelay $0x3  }
0x92: {  	_ =	strace s17  }
0x93: {  	s2 =	sld [smem:$0x3FFC];
	_ =	sdelay $0x3  }
0x94: {  	_ =	strace s2  }
0x95: {  	s2 =	sld [smem:$0x3FFD];
	_ =	sdelay $0x3  }
0x96: {  	_ =	strace s2  }
0x97: {  	_ =	strace $0x8FFFFFFF  }
0x98: {  	s18 =	sld [smem:$0x3FDB];
	_ =	sdelay $0x1  }
0x99: {  	s19 =	simm.s32 $_scs_section_size  }
0x9a: {  	s4 =	simm.s32 $_size__tile_overlayer_lowered;
	s5 =	simm.s32 $_tile_overlayer_lowered  }
0x9b: {  	s22 =	simm.s32 $0x1BFF;
	s21 =	sshll.u32 s5, $0x1;
	s2 =	sadd.s32 s19, s18  }
0x9c: {  	s6 =	simm.s32 $0x0;
	s20 =	sshll.u32 s4, $0x1;
	s4 =	sadd.s32 s21, s2  }
0x9d: {  	[timem:s6], [sflag:s22] =	dma.local [hbm:s4], s20  }
0x9e: {  	_ =	swait.ge [sflag:s22], s20  }
0x9f: {  	s3 =	ssub.s32 $0x0, s20;
	[sflag:s22] =	ssyncset.done $0x0  }
0xa0: {  	[sflag:s22] =	ssyncadd.s32 s3;
	_ =	sdelay $0x1  }
0xa1: {  	s23 =	simm.s32 $0x1B8B  }
0xa2: {  	_ =	swait.ge [sflag:s23], $0x1  }
0xa3: {  	[sflag:s23] =	ssyncset.done $0x0  }
0xa4: {  	s25 =	simm.s32 $0x1B8E;
	s24 =	sld [smem:$0x3FFE];
	[sflag:s23] =	ssyncadd.s32 $0xFFFFFFFF  }
0xa5: {  	s26 =	simm.s32 $execute0_lowered;
	[smem:$0x3FD2] =	sst s25  }
0xa6: {  	s4 =	sshll.u32 s26, $0x1;
	_ =	strace $0x80000046;
	[dreg:$0x1] =	wrdreg $0xFFFFFFFF  }
0xa7: {  	s28 =	simm.s32 $_size_execute0_lowered;
	s2 =	sadd.s32 s2, s4;
	[dreg:$0x0] =	wrdreg $0x0  }
0xa8: {  	s4 =	sshll.u32 s28, $0x1;
	[dreg:$0x2] =	wrdreg s2  }
0xa9: {  	[dreg:$0x3] =	wrdreg s4  }
0xaa: {  	[dreg:$0x4] =	wrdreg $0xC0  }
0xab: {  	_ =	task [dreg:s6], $0x5FFFF  }
0xac: {  	[dreg:$0x1] =	wrdreg $0xFFFFFFFF  }
0xad: {  	[dreg:$0x0] =	wrdreg $0x60  }
0xae: {  	[dreg:$0x2] =	wrdreg s24  }
0xaf: {  	[dreg:$0x3] =	wrdreg $0x5500  }
0xb0: {  	[dreg:$0x4] =	wrdreg $0x9  }
0xb1: {  	_ =	task.clear_ibuf [dreg:s6], $0x5FFFF;
	_ =	strace $0x90000046  }
0xb2: {  	s29 =	simm.s32 $0x9;
	_ =	strace $0x80000048  }
0xb3: {  	_ =	swait.ge [sflag:s29], $0x1  }
0xb4: {  	[sflag:s29] =	ssyncadd.s32 $0xFFFFFFFF  }
0xb5: {  	_ =	strace $0x90000048  }
0xb6: {  	_ =	sfence  }
0xb7: {  	s30 =	sld [smem:$0x0];
	_ =	sdelay $0x2  }
0xb8: {  	s31 =	sshll.u32 s1, $0xD;
	s1 =	sshrl.u32 s1, $0x2  }
0xb9: {  	s3 =	sand.u32 $0x4000, s31;
	s1 =	sadd.s32 s1, s30  }
0xba: {  	s0 =	sor.u32 s3, s0;
	s1 =	sshll.u32 s1, $0x11  }
0xbb: {  	s0 =	sor.u32 s1, s0  }
0xbc: {  	s0 =	sadd.s32 $0x8F2B, s0  }
0xbd: {  	[sflag:s0] =	ssyncadd.remote.s32 $0x1  }
0xbe: {  	_ =	sfence.sel $0xFFFF  }
0xbf: {  	[dreg:$0x0] =	wrdreg $0xFFFFFFFF;
	(pc) =	sbr.abs _section_cstart, $3  }
0xc0: {  	[dreg:$0x1] =	wrdreg $0xFFFFFFFF  }
0xc1: {  	_ =	task.clear_ibuf [dreg:s6], $0x2FFFF;
	_ =	strace $0x9FFFFFFF  }
0xc2: {  	(tm) =	ssettm $0x7FFFFFFF  }
0xc3: {  	_ =	shalt  }
tec
execute0_lowered:
.L_overlay_start_1:
0x0: {  	(tag) =	ssettag $0x1  }
0x1: {  	s1 =	srdreg.scid;
	s5 =	rddreg [dreg:$0x0]  }
0x2: {  	s0 =	stileid.u32;
	s2 =	rddreg [dreg:$0x1]  }
0x3: {  	s3 =	simm.s32 $0x0;
	s13 =	simm.s32 $0x0;
	s4 =	smul.u32 $0x4E20, s0  }
0x4: {  	s6 =	sand.u32 $0x1, s1;
	s1 =	rddreg [dreg:$0x2];
	s31 =	smul.u32 $0x3E80, s0  }
0x5: {  	[smem:$0x7FF] =	sst s3;
	p0 =	sgt.u32 s0, $0x9;
	s7 =	smul.u32 $0x2710, s6  }
0x6: {  	s8 =	smul.u32 $0x27100, s6;
	_ =	strace $0x80000047;
	s6 =	ssub.s32 $0x2, s6  }
0x7: {  	s10 =	sshrl.u32 s31, $0x3;
	s11 =	sshrl.u32 s6, $0x1;
	s12 =	sadd.s32 s31, s2  }
0x8: {  	s4 =	sadd.s32 s7, s4;
	s8 =	sadd.s32 s31, s8;
	s10 =	sadd.s32 s10, s5  }
0x9: {  	s11 =	ssub.s32 s6, s11;
	s12 =	sshrl.u32 @!p0 s12, $0x3;
	s4 =	sshrl.u32 s4, $0x3  }
0xa: {  	s8 =	sshrl.u32 s8, $0x3;
	s7 =	smax.u32 s11, $0x1;
	s11 =	sshll.u32 @!p0 s0, $0x6  }
0xb: {  	s9 =	sadd.s32 s4, s5;
	s4 =	sadd.s32 $0x11400, s5;
	s8 =	sadd.s32 s8, s5  }
0xc: {  	s5 =	sadd.s32 $0xC400, s10;
	s10 =	simm.s32 $0x1;
	s11 =	sor.u32 @!p0 $0x1C01, s11  }
0xd: {  	s6 =	sadd.s32 $0x11600, s8;
	s8 =	sadd.s32 $0x2600, s9;
	s9 =	simm.s32 $0x50  }
.LBB2_1:
0xe: {  	[tilespmem:s9], [sflag:$0x1] =	stream.linear.gather [hbm4b:s4+s3], $0x500, $0x38;
	[tilespmem:$0x2C60] =	vst v63  }
0xf: {  	_ =	swait.ge [sflag:s10], $0x500  }
0x10: {  	[sflag:s10] =	ssyncset.done $0x0  }
0x11: {  	s14 =	simm.s32 @!p0 $0x1;
	[sflag:s10] =	ssyncadd.s32 $0xFFFFFB00  }
0x12: {  	[spmem:s12], [sflag:s11] =	dma.local @!p0 [hbm:s5], $0x7D0  }
0x13: {  	_ =	swait.ge @!p0 [sflag:s14], $0x7D0  }
0x14: {  	[sflag:s14] =	ssyncset.done @!p0 $0x0  }
0x15: {  	[sflag:s14] =	ssyncadd.s32 @!p0 $0xFFFFF830  }
0x16: {  	s31 =	sadd.s32 $0x0, s8;
	[bflag:$0x0] =	sbarrier.arrive $0xFFFF  }
0x17: {  	[tilespmem:s3], [sflag:$0x1] =	stream.linear.gather [hbm4b:s31+s3], $0x50, $0x38;
	[tilespmem:$0x2C60] =	vst v63  }
0x18: {  	_ =	swait.ge [sflag:s10], $0x50  }
0x19: {  	[sflag:s10] =	ssyncset.done $0x0  }
0x1a: {  	[sflag:s10] =	ssyncadd.s32 $0xFFFFFFB0  }
0x1b: {  	[spmem:s2] =	stream.indirect.scatter.add.f32 [tilespmem:s9], [sflag:$0x1], $0x10, s3, s9, $0xb8;
	[tilespmem:$0x2C60] =	vst v63  }
0x1c: {  	_ =	swait.ge [sflag:s10], $0x500  }
0x1d: {  	s15 =	simm.s32 $0x14;
	s14 =	simm.s32 $0xA;
	[sflag:s10] =	ssyncset.done $0x0  }
.LBB2_2:
0x1e: {  	s16 =	sadd.s32 s14, s8  }
0x1f: {  	[sflag:s10] =	ssyncadd.s32 $0xFFFFFB00;
	s14 =	smov.u32 s15;
	s17 =	sadd.s32 $0xA, s15  }
0x20: {  	[tilespmem:s3], [sflag:$0x1] =	stream.linear.gather [hbm4b:s16+s3], $0x50, $0x38;
	[tilespmem:$0x2C60] =	vst v63  }
0x21: {  	p1 =	sne.s32 s15, $0x4D8;
	_ =	swait.ge [sflag:s10], $0x50  }
.Ltmp0:
0x22: {  	[sflag:s10] =	ssyncset.done $0x0;
	(pc) =	sbr.rel @p1 .LBB2_2-.Ltmp0, $4  }
0x23: {  	[sflag:s10] =	ssyncadd.s32 $0xFFFFFFB0  }
0x24: {  	[spmem:s2] =	stream.indirect.scatter.add.f32 [tilespmem:s9], [sflag:$0x1], $0x10, s3, s9, $0xb8;
	[tilespmem:$0x2C60] =	vst v63  }
0x25: {  	_ =	swait.ge [sflag:s10], $0x500  }
0x26: {  	s15 =	smov.u32 s17;
	[sflag:s10] =	ssyncset.done $0x0  }
0x27: {  	s14 =	sadd.s32 s14, s8;
	[sflag:s10] =	ssyncadd.s32 $0xFFFFFB00  }
0x28: {  	[tilespmem:s3], [sflag:$0x1] =	stream.linear.gather [hbm4b:s14+s3], $0x50, $0x38;
	[tilespmem:$0x2C60] =	vst v63  }
0x29: {  	_ =	swait.ge [sflag:s10], $0x50  }
0x2a: {  	[sflag:s10] =	ssyncset.done $0x0  }
0x2b: {  	[sflag:s10] =	ssyncadd.s32 $0xFFFFFFB0  }
0x2c: {  	[spmem:s2] =	stream.indirect.scatter.add.f32 [tilespmem:s9], [sflag:$0x1], $0x10, s3, s9, $0xb8;
	[tilespmem:$0x2C60] =	vst v63  }
0x2d: {  	_ =	swait.ge [sflag:s10], $0x500  }
0x2e: {  	s13 =	sadd.s32 $0x1, s13;
	[sflag:s10] =	ssyncset.done $0x0  }
0x2f: {  	p1 =	sne.s32 s13, s7;
	[sflag:s10] =	ssyncadd.s32 $0xFFFFFB00  }
.Ltmp1:
0x30: {  	s14 =	simm.s32 @!p0 $0x1;
	[bflag:$0x0] =	sbarrier.arrive $0xFFFF;
	(pc) =	sbr.rel @p1 .LBB2_1-.Ltmp1, $4  }
0x31: {  	[hbm:s6], [sflag:s11] =	dma.local @!p0 [spmem:s12], $0x7D0  }
0x32: {  	_ =	swait.ge @!p0 [sflag:s14], $0x7D0  }
0x33: {  	[sflag:s14] =	ssyncset.done @!p0 $0x0  }
0x34: {  	[sflag:s14] =	ssyncadd.s32 @!p0 $0xFFFFF830  }
0x35: {  	_ =	sfence.sel $0x180000  }
0x36: {  	[bflag:$0x0] =	sbarrier.arrive $0xFFFF  }
0x37: {  	p0 =	sne.s32 s0, $0x0;
	_ =	strace $0x90000047  }
0x38: {  	s0 =	sadd.s32 @!p0 $0x100000, s1;
	[bflag:$0x2] =	sbarrier.arrive $0xFFFF  }
0x39: {  	[sflag:s0] =	ssyncadd.tile.s32 @!p0 $0x1;
	_ =	shalt  }
.Lfunc_end2:
_tile_overlayer_lowered:
.L_overlay_start_2:
0x3a: {  	(tag) =	ssettag $0x2  }
0x3b: {  	s0 =	rddreg [dreg:$0x0];
	s2 =	stileid.u32  }
0x3c: {  	s1 =	rddreg [dreg:$0x1];
	p0 =	sne.s32 s2, $0x0  }
0x3d: {  	s3 =	rddreg [dreg:$0x2];
	[bflag:$0x3] =	sbarrier.arrive $0xFFFF;
	s2 =	simm.s32 @!p0 $0x1C01  }
0x3e: {  	[timem:s3], [sflag:s2] =	dma.local @!p0 [hbm:s0], s1  }
0x3f: {  	s0 =	simm.s32 @!p0 $0x1  }
0x40: {  	_ =	swait.ge @!p0 [sflag:s0], s1  }
0x41: {  	s1 =	ssub.s32 @!p0 $0x0, s1;
	[sflag:s0] =	ssyncset.done @!p0 $0x0  }
0x42: {  	[sflag:s0] =	ssyncadd.s32 @!p0 s1  }
0x43: {  	[bflag:$0x3] =	sbarrier.arrive $0xFFFF  }
0x44: {  	_ =	shalt  }

</sc_bundles>
